<compile_context>
chip_gen: v7x
topology: tpu7x:2x2x1
jax: 0.10.2.dev20260603
libtpu: 0.0.44.dev20260713+nightly
codegen_flags: <defaults>
</compile_context>

<pallas_src>
import functools

import jax
import jax.numpy as jnp
from jax import lax
from jax.experimental import pallas as pl
from jax.experimental.pallas import tpu as pltpu
from jax.experimental.pallas import tpu_sc as plsc

WE_DIM = 64
EE_DIM = 64
OUT_DIM = WE_DIM + EE_DIM
TAB_DIM = 128

NC = 2
NS = 16
NW = NC * NS

SUB = 128
CHUNK = 128

TBLK = 8192


def _make_transpose(v: int, d: int):
    v_pad = ((v + TBLK - 1) // TBLK) * TBLK

    @functools.partial(
        pl.pallas_call,
        grid=(v_pad // TBLK,),
        in_specs=[pl.BlockSpec((d, TBLK), lambda i: (0, i))],
        out_specs=pl.BlockSpec((TBLK, TAB_DIM), lambda i: (i, 0)),
        out_shape=jax.ShapeDtypeStruct((v_pad, TAB_DIM), jnp.float32),
    )
    def transpose_kernel(in_ref, out_ref):
        rows = lax.broadcasted_iota(jnp.int32, (d, d), 0)
        cols = lax.broadcasted_iota(jnp.int32, (d, d), 1)
        eye = jnp.where(rows == cols, 1.0, 0.0).astype(jnp.float32)
        out_ref[:, 0:d] = lax.dot_general(
            in_ref[...], eye, (((0,), (0,)), ((), ())),
            precision=lax.Precision.HIGHEST,
            preferred_element_type=jnp.float32)

    return transpose_kernel


def _make_gather(n_rows: int, wv_pad: int, ev_pad: int):
    rows_per_w = n_rows // NW
    n_chunks = rows_per_w // CHUNK
    n_pairs = n_chunks // 2
    assert n_chunks % 2 == 0 and n_pairs >= 2
    mesh = plsc.VectorSubcoreMesh(core_axis_name="c", subcore_axis_name="s")

    @functools.partial(
        pl.kernel,
        mesh=mesh,
        compiler_params=pltpu.CompilerParams(use_tc_tiling_on_sc=False),
        out_type=jax.ShapeDtypeStruct((n_rows, OUT_DIM), jnp.float32),
        scratch_types=[
            pltpu.VMEM((rows_per_w // SUB, SUB), jnp.int32),
            pltpu.VMEM((rows_per_w // SUB, SUB), jnp.int32),
            pltpu.VMEM((2, CHUNK, TAB_DIM), jnp.float32),
            pltpu.VMEM((2, CHUNK, TAB_DIM), jnp.float32),
            pltpu.SemaphoreType.DMA,
            pltpu.SemaphoreType.DMA,
            pltpu.SemaphoreType.DMA,
            pltpu.SemaphoreType.DMA,
        ],
    )
    def gather_kernel(widx_hbm, eidx_hbm, wtab_hbm, etab_hbm, out_hbm,
                      widx_v, eidx_v, wrows_v, erows_v,
                      gsem0, gsem1, ssem0, ssem1):
        wid = lax.axis_index("s") * NC + lax.axis_index("c")
        base = wid * rows_per_w
        idx_row0 = wid * (rows_per_w // SUB)
        gsem = (gsem0, gsem1)
        ssem = (ssem0, ssem1)

        def fire(c, b):
            pltpu.async_copy(wtab_hbm.at[widx_v.at[c]],
                             wrows_v.at[b], gsem[b])
            pltpu.async_copy(etab_hbm.at[eidx_v.at[c]],
                             erows_v.at[b], gsem[b])

        def wait_g(b):
            pltpu.make_async_copy(wtab_hbm.at[pl.ds(0, CHUNK)],
                                  wrows_v.at[b], gsem[b]).wait()
            pltpu.make_async_copy(wtab_hbm.at[pl.ds(0, CHUNK)],
                                  erows_v.at[b], gsem[b]).wait()

        def store(c, b):
            cbase = base + c * CHUNK
            pltpu.async_copy(wrows_v.at[b, :, pl.ds(0, WE_DIM)],
                             out_hbm.at[pl.ds(cbase, CHUNK), pl.ds(0, WE_DIM)],
                             ssem[b])
            pltpu.async_copy(erows_v.at[b, :, pl.ds(0, EE_DIM)],
                             out_hbm.at[pl.ds(cbase, CHUNK), pl.ds(WE_DIM, EE_DIM)],
                             ssem[b])

        def wait_s(b):
            pltpu.make_async_copy(wtab_hbm.at[pl.ds(0, CHUNK // 2)],
                                  wrows_v.at[b, pl.ds(0, CHUNK // 2)],
                                  ssem[b]).wait()
            pltpu.make_async_copy(wtab_hbm.at[pl.ds(0, CHUNK // 2)],
                                  erows_v.at[b, pl.ds(0, CHUNK // 2)],
                                  ssem[b]).wait()

        pltpu.sync_copy(widx_hbm.at[pl.ds(idx_row0, rows_per_w // SUB)], widx_v)
        pltpu.sync_copy(eidx_hbm.at[pl.ds(idx_row0, rows_per_w // SUB)], eidx_v)

        fire(0, 0)
        fire(1, 1)
        wait_g(0)
        store(0, 0)
        wait_s(0)
        fire(2, 0)
        wait_g(1)
        store(1, 1)

        def body(p, carry):
            c0 = 2 * p
            c1 = c0 + 1
            wait_s(1)
            fire(c1, 1)
            wait_g(0)
            store(c0, 0)
            wait_s(0)
            fire(c0 + 2, 0)
            wait_g(1)
            store(c1, 1)
            return carry

        lax.fori_loop(1, n_pairs - 1, body, 0, unroll=False)

        c0 = n_chunks - 2
        wait_s(1)
        fire(c0 + 1, 1)
        wait_g(0)
        store(c0, 0)
        wait_g(1)
        store(c0 + 1, 1)
        wait_s(0)
        wait_s(1)

    return gather_kernel


def kernel(lctx_words, rctx_words, lctx_entities, rctx_entities,
           word_table, entity_table):
    b, l = lctx_words.shape
    n_rows = 2 * b * l
    wv, wd = word_table.shape
    ev, ed = entity_table.shape

    widx = jnp.concatenate(
        [rctx_words.reshape(-1), lctx_words.reshape(-1)]
    ).astype(jnp.int32).reshape(n_rows // SUB, SUB)
    eidx = jnp.concatenate(
        [rctx_entities.reshape(-1), lctx_entities.reshape(-1)]
    ).astype(jnp.int32).reshape(n_rows // SUB, SUB)

    wtab = _make_transpose(wv, wd)(word_table.T)
    etab = _make_transpose(ev, ed)(entity_table.T)
    out = _make_gather(n_rows, wtab.shape[0], etab.shape[0])(
        widx, eidx, wtab, etab)
    return out.reshape(2, b, l, OUT_DIM)

# --- scband reference (transcript-rebuilt; emitter-appended) ---
"""Pipeline reference for scband-three-scorer-model-49495203119447 (READ-ONLY COPY).

The authoritative reference and input builder live on the scoring server;
editing this copy changes nothing except your own understanding.
"""

import jax, jax.numpy as jnp
import numpy as np

WORD_VOCAB = 1000002  # 1M pretrained rows + 2 zero pad rows (vstack in __init__)
ENT_VOCAB = 100002    # 100k pretrained rows + 2 zero pad rows
WE_DIM = 64
EE_DIM = 64
B = 1024
L = 200


def setup_inputs(seed: int = 0) -> dict:
    key = jax.random.key(seed)
    k1, k2, k3, k4, k5, k6 = jax.random.split(key, 6)
    lctx_words = jax.random.randint(k1, (B, L), 0, WORD_VOCAB)
    rctx_words = jax.random.randint(k2, (B, L), 0, WORD_VOCAB)
    lctx_entities = jax.random.randint(k3, (B, L), 0, ENT_VOCAB)
    rctx_entities = jax.random.randint(k4, (B, L), 0, ENT_VOCAB)
    word_table = jax.random.normal(k5, (WORD_VOCAB, WE_DIM), dtype=jnp.float32) * 0.02
    word_table = word_table.at[:2].set(0.0)  # two zero rows prepended in __init__
    entity_table = jax.random.normal(k6, (ENT_VOCAB, EE_DIM), dtype=jnp.float32) * 0.02
    entity_table = entity_table.at[:2].set(0.0)
    return {
        "lctx_words": lctx_words,
        "rctx_words": rctx_words,
        "lctx_entities": lctx_entities,
        "rctx_entities": rctx_entities,
        "word_table": word_table,
        "entity_table": entity_table,
    }


def reference(lctx_words, rctx_words, lctx_entities, rctx_entities, word_table, entity_table):
    # Embedding lookups (nn.Embedding -> table gather)
    lctx_word_batch = jnp.take(word_table, lctx_words, axis=0)
    rctx_word_batch = jnp.take(word_table, rctx_words, axis=0)
    lctx_entity_batch = jnp.take(entity_table, lctx_entities, axis=0)
    rctx_entity_batch = jnp.take(entity_table, rctx_entities, axis=0)
    # wctx = torch.stack([rctx, lctx], dim=0); ectx likewise
    wctx = jnp.stack([rctx_word_batch, lctx_word_batch], axis=0)   # [2, B, L, WE_DIM]
    ectx = jnp.stack([rctx_entity_batch, lctx_entity_batch], axis=0)  # [2, B, L, EE_DIM]
    # Downstream scorers (ERScorer/ELScorer/ECScorer) are external undefined modules;
    # the SparseCore-relevant computation is the gather + stack, returned concatenated.
    return jnp.concatenate([wctx, ectx], axis=-1)  # [2, B, L, WE_DIM+EE_DIM]

if __name__ == "__main__":
    import jax
    _d = setup_inputs()
    print(jax.jit(kernel)(*tuple(_d.values())))

</pallas_src>

<mosaic_0001>
#map = affine_map<(d0, d1) -> (0, 0)>
module attributes {stable_mosaic.version = 14 : i64} {
  func.func @gather_kernel(%arg0: i32, %arg1: i32, %arg2: memref<3200x128xi32, #tpu.memory_space<hbm>>, %arg3: memref<3200x128xi32, #tpu.memory_space<hbm>>, %arg4: memref<1007616x128xf32, #tpu.memory_space<hbm>>, %arg5: memref<106496x128xf32, #tpu.memory_space<hbm>>, %arg6: memref<409600x128xf32, #tpu.memory_space<hbm>>, %arg7: memref<100x128xi32, #tpu.memory_space<vmem>>, %arg8: memref<100x128xi32, #tpu.memory_space<vmem>>, %arg9: memref<2x128x128xf32, #tpu.memory_space<vmem>>, %arg10: memref<2x128x128xf32, #tpu.memory_space<vmem>>, %arg11: memref<!tpu.dma_semaphore, #tpu.memory_space<semaphore_mem>>, %arg12: memref<!tpu.dma_semaphore, #tpu.memory_space<semaphore_mem>>, %arg13: memref<!tpu.dma_semaphore, #tpu.memory_space<semaphore_mem>>, %arg14: memref<!tpu.dma_semaphore, #tpu.memory_space<semaphore_mem>>) attributes {dimension_semantics = [#tpu.dimension_semantics<core_parallel>, #tpu.dimension_semantics<subcore_parallel>], iteration_bounds = array<i64: 2, 16>, scalar_prefetch = 0 : i64, scratch_operands = 8 : i64, tpu.core_type = #tpu.core_type<sc_vector_subcore>, window_params = [{transform_indices = #map}, {transform_indices = #map}, {transform_indices = #map}, {transform_indices = #map}, {transform_indices = #map}]} {
    %mul3A = arith.constant 2 : i32
    %mul3A_0 = arith.muli %arg1, %mul3A : i32
    %add3A = arith.addi %mul3A_0, %arg0 : i32
    %mul3A_1 = arith.constant 12800 : i32
    %mul3A_2 = arith.muli %add3A, %mul3A_1 : i32
    %mul3A_3 = arith.constant 100 : i32
    %mul3A_4 = arith.muli %add3A, %mul3A_3 : i32
    "tpu.region"() ({
      %run_scoped3A = tpu.sem_alloc : memref<!tpu.dma_semaphore, #tpu.memory_space<semaphore_mem>>
      %dma_start3A_456 = arith.constant 0 : i32
      %dma_start3A_457 = tpu.memref_slice %arg2[%mul3A_4, %dma_start3A_456] : memref<3200x128xi32, #tpu.memory_space<hbm>> -> memref<100x128xi32, #tpu.memory_space<hbm>>
      %dma_start3A_458 = arith.constant 0 : i32
      %dma_start3A_459 = tpu.memref_slice %arg2[%mul3A_4, %dma_start3A_458] : memref<3200x128xi32, #tpu.memory_space<hbm>> -> memref<100x128xi32, #tpu.memory_space<hbm>>
      tpu.enqueue_dma source(%dma_start3A_459 : memref<100x128xi32, #tpu.memory_space<hbm>>) target(%arg7 : memref<100x128xi32, #tpu.memory_space<vmem>>) target_semaphore(%run_scoped3A : memref<!tpu.dma_semaphore, #tpu.memory_space<semaphore_mem>>)
      %dma_wait3A_460 = arith.constant 0 : i32
      %dma_wait3A_461 = tpu.memref_slice %arg2[%mul3A_4, %dma_wait3A_460] : memref<3200x128xi32, #tpu.memory_space<hbm>> -> memref<100x128xi32, #tpu.memory_space<hbm>>
      %dma_wait3A_462 = arith.constant 0 : i32
      %dma_wait3A_463 = tpu.memref_slice %arg2[%mul3A_4, %dma_wait3A_462] : memref<3200x128xi32, #tpu.memory_space<hbm>> -> memref<100x128xi32, #tpu.memory_space<hbm>>
      tpu.wait_dma2 semaphore(%run_scoped3A : memref<!tpu.dma_semaphore, #tpu.memory_space<semaphore_mem>>) src(%dma_wait3A_463 : memref<100x128xi32, #tpu.memory_space<hbm>>) dst(%arg7 : memref<100x128xi32, #tpu.memory_space<vmem>>)
      tpu.yield
    }) : () -> ()
    "tpu.region"() ({
      %run_scoped3A = tpu.sem_alloc : memref<!tpu.dma_semaphore, #tpu.memory_space<semaphore_mem>>
      %dma_start3A_456 = arith.constant 0 : i32
      %dma_start3A_457 = tpu.memref_slice %arg3[%mul3A_4, %dma_start3A_456] : memref<3200x128xi32, #tpu.memory_space<hbm>> -> memref<100x128xi32, #tpu.memory_space<hbm>>
      %dma_start3A_458 = arith.constant 0 : i32
      %dma_start3A_459 = tpu.memref_slice %arg3[%mul3A_4, %dma_start3A_458] : memref<3200x128xi32, #tpu.memory_space<hbm>> -> memref<100x128xi32, #tpu.memory_space<hbm>>
      tpu.enqueue_dma source(%dma_start3A_459 : memref<100x128xi32, #tpu.memory_space<hbm>>) target(%arg8 : memref<100x128xi32, #tpu.memory_space<vmem>>) target_semaphore(%run_scoped3A : memref<!tpu.dma_semaphore, #tpu.memory_space<semaphore_mem>>)
      %dma_wait3A_460 = arith.constant 0 : i32
      %dma_wait3A_461 = tpu.memref_slice %arg3[%mul3A_4, %dma_wait3A_460] : memref<3200x128xi32, #tpu.memory_space<hbm>> -> memref<100x128xi32, #tpu.memory_space<hbm>>
      %dma_wait3A_462 = arith.constant 0 : i32
      %dma_wait3A_463 = tpu.memref_slice %arg3[%mul3A_4, %dma_wait3A_462] : memref<3200x128xi32, #tpu.memory_space<hbm>> -> memref<100x128xi32, #tpu.memory_space<hbm>>
      tpu.wait_dma2 semaphore(%run_scoped3A : memref<!tpu.dma_semaphore, #tpu.memory_space<semaphore_mem>>) src(%dma_wait3A_463 : memref<100x128xi32, #tpu.memory_space<hbm>>) dst(%arg8 : memref<100x128xi32, #tpu.memory_space<vmem>>)
      tpu.yield
    }) : () -> ()
    %dma_start3A = arith.constant 0 : i32
    %dma_start3A_5 = arith.constant 0 : i32
    %dma_start3A_6 = arith.constant 0 : i32
    %dma_start3A_7 = arith.constant 0 : i32
    %dma_start3A_8 = tpu.memref_slice %arg9[%dma_start3A_5, %dma_start3A_6, %dma_start3A_7] : memref<2x128x128xf32, #tpu.memory_space<vmem>> -> memref<1x128x128xf32, #tpu.memory_space<vmem>>
    %dma_start3A_9 = tpu.memref_squeeze %dma_start3A_8 : memref<1x128x128xf32, #tpu.memory_space<vmem>> -> memref<128x128xf32, #tpu.memory_space<vmem>>
    %dma_start3A_10 = arith.constant 0 : i32
    %dma_start3A_11 = tpu.memref_slice %arg7[%dma_start3A, %dma_start3A_10] : memref<100x128xi32, #tpu.memory_space<vmem>> -> memref<1x128xi32, #tpu.memory_space<vmem>>
    %dma_start3A_12 = tpu.memref_squeeze %dma_start3A_11 : memref<1x128xi32, #tpu.memory_space<vmem>> -> memref<128xi32, #tpu.memory_space<vmem>>
    %dma_start3A_13 = arith.constant 0 : i32
    %dma_start3A_14 = arith.constant 0 : i32
    %dma_start3A_15 = tpu.memref_slice %arg4[%dma_start3A_13, %dma_start3A_14] : memref<1007616x128xf32, #tpu.memory_space<hbm>> -> memref<1007616x128xf32, #tpu.memory_space<hbm>>
    tpu.enqueue_indirect_dma source(%dma_start3A_15 : memref<1007616x128xf32, #tpu.memory_space<hbm>>) target(%dma_start3A_9 : memref<128x128xf32, #tpu.memory_space<vmem>>) offsets(%dma_start3A_12 : memref<128xi32, #tpu.memory_space<vmem>>) semaphore(%arg11 : memref<!tpu.dma_semaphore, #tpu.memory_space<semaphore_mem>>)
    %dma_start3A_16 = arith.constant 0 : i32
    %dma_start3A_17 = arith.constant 0 : i32
    %dma_start3A_18 = arith.constant 0 : i32
    %dma_start3A_19 = arith.constant 0 : i32
    %dma_start3A_20 = tpu.memref_slice %arg10[%dma_start3A_17, %dma_start3A_18, %dma_start3A_19] : memref<2x128x128xf32, #tpu.memory_space<vmem>> -> memref<1x128x128xf32, #tpu.memory_space<vmem>>
    %dma_start3A_21 = tpu.memref_squeeze %dma_start3A_20 : memref<1x128x128xf32, #tpu.memory_space<vmem>> -> memref<128x128xf32, #tpu.memory_space<vmem>>
    %dma_start3A_22 = arith.constant 0 : i32
    %dma_start3A_23 = tpu.memref_slice %arg8[%dma_start3A_16, %dma_start3A_22] : memref<100x128xi32, #tpu.memory_space<vmem>> -> memref<1x128xi32, #tpu.memory_space<vmem>>
    %dma_start3A_24 = tpu.memref_squeeze %dma_start3A_23 : memref<1x128xi32, #tpu.memory_space<vmem>> -> memref<128xi32, #tpu.memory_space<vmem>>
    %dma_start3A_25 = arith.constant 0 : i32
    %dma_start3A_26 = arith.constant 0 : i32
    %dma_start3A_27 = tpu.memref_slice %arg5[%dma_start3A_25, %dma_start3A_26] : memref<106496x128xf32, #tpu.memory_space<hbm>> -> memref<106496x128xf32, #tpu.memory_space<hbm>>
    tpu.enqueue_indirect_dma source(%dma_start3A_27 : memref<106496x128xf32, #tpu.memory_space<hbm>>) target(%dma_start3A_21 : memref<128x128xf32, #tpu.memory_space<vmem>>) offsets(%dma_start3A_24 : memref<128xi32, #tpu.memory_space<vmem>>) semaphore(%arg11 : memref<!tpu.dma_semaphore, #tpu.memory_space<semaphore_mem>>)
    %dma_start3A_28 = arith.constant 1 : i32
    %dma_start3A_29 = arith.constant 1 : i32
    %dma_start3A_30 = arith.constant 0 : i32
    %dma_start3A_31 = arith.constant 0 : i32
    %dma_start3A_32 = tpu.memref_slice %arg9[%dma_start3A_29, %dma_start3A_30, %dma_start3A_31] : memref<2x128x128xf32, #tpu.memory_space<vmem>> -> memref<1x128x128xf32, #tpu.memory_space<vmem>>
    %dma_start3A_33 = tpu.memref_squeeze %dma_start3A_32 : memref<1x128x128xf32, #tpu.memory_space<vmem>> -> memref<128x128xf32, #tpu.memory_space<vmem>>
    %dma_start3A_34 = arith.constant 0 : i32
    %dma_start3A_35 = tpu.memref_slice %arg7[%dma_start3A_28, %dma_start3A_34] : memref<100x128xi32, #tpu.memory_space<vmem>> -> memref<1x128xi32, #tpu.memory_space<vmem>>
    %dma_start3A_36 = tpu.memref_squeeze %dma_start3A_35 : memref<1x128xi32, #tpu.memory_space<vmem>> -> memref<128xi32, #tpu.memory_space<vmem>>
    %dma_start3A_37 = arith.constant 0 : i32
    %dma_start3A_38 = arith.constant 0 : i32
    %dma_start3A_39 = tpu.memref_slice %arg4[%dma_start3A_37, %dma_start3A_38] : memref<1007616x128xf32, #tpu.memory_space<hbm>> -> memref<1007616x128xf32, #tpu.memory_space<hbm>>
    tpu.enqueue_indirect_dma source(%dma_start3A_39 : memref<1007616x128xf32, #tpu.memory_space<hbm>>) target(%dma_start3A_33 : memref<128x128xf32, #tpu.memory_space<vmem>>) offsets(%dma_start3A_36 : memref<128xi32, #tpu.memory_space<vmem>>) semaphore(%arg12 : memref<!tpu.dma_semaphore, #tpu.memory_space<semaphore_mem>>)
    %dma_start3A_40 = arith.constant 1 : i32
    %dma_start3A_41 = arith.constant 1 : i32
    %dma_start3A_42 = arith.constant 0 : i32
    %dma_start3A_43 = arith.constant 0 : i32
    %dma_start3A_44 = tpu.memref_slice %arg10[%dma_start3A_41, %dma_start3A_42, %dma_start3A_43] : memref<2x128x128xf32, #tpu.memory_space<vmem>> -> memref<1x128x128xf32, #tpu.memory_space<vmem>>
    %dma_start3A_45 = tpu.memref_squeeze %dma_start3A_44 : memref<1x128x128xf32, #tpu.memory_space<vmem>> -> memref<128x128xf32, #tpu.memory_space<vmem>>
    %dma_start3A_46 = arith.constant 0 : i32
    %dma_start3A_47 = tpu.memref_slice %arg8[%dma_start3A_40, %dma_start3A_46] : memref<100x128xi32, #tpu.memory_space<vmem>> -> memref<1x128xi32, #tpu.memory_space<vmem>>
    %dma_start3A_48 = tpu.memref_squeeze %dma_start3A_47 : memref<1x128xi32, #tpu.memory_space<vmem>> -> memref<128xi32, #tpu.memory_space<vmem>>
    %dma_start3A_49 = arith.constant 0 : i32
    %dma_start3A_50 = arith.constant 0 : i32
    %dma_start3A_51 = tpu.memref_slice %arg5[%dma_start3A_49, %dma_start3A_50] : memref<106496x128xf32, #tpu.memory_space<hbm>> -> memref<106496x128xf32, #tpu.memory_space<hbm>>
    tpu.enqueue_indirect_dma source(%dma_start3A_51 : memref<106496x128xf32, #tpu.memory_space<hbm>>) target(%dma_start3A_45 : memref<128x128xf32, #tpu.memory_space<vmem>>) offsets(%dma_start3A_48 : memref<128xi32, #tpu.memory_space<vmem>>) semaphore(%arg12 : memref<!tpu.dma_semaphore, #tpu.memory_space<semaphore_mem>>)
    %dma_wait3A = arith.constant 0 : i32
    %dma_wait3A_52 = arith.constant 0 : i32
    %dma_wait3A_53 = arith.constant 0 : i32
    %dma_wait3A_54 = tpu.memref_slice %arg9[%dma_wait3A, %dma_wait3A_52, %dma_wait3A_53] : memref<2x128x128xf32, #tpu.memory_space<vmem>> -> memref<1x128x128xf32, #tpu.memory_space<vmem>>
    %dma_wait3A_55 = tpu.memref_squeeze %dma_wait3A_54 : memref<1x128x128xf32, #tpu.memory_space<vmem>> -> memref<128x128xf32, #tpu.memory_space<vmem>>
    %dma_wait3A_56 = arith.constant 0 : i32
    %dma_wait3A_57 = arith.constant 0 : i32
    %dma_wait3A_58 = tpu.memref_slice %arg4[%dma_wait3A_56, %dma_wait3A_57] : memref<1007616x128xf32, #tpu.memory_space<hbm>> -> memref<128x128xf32, #tpu.memory_space<hbm>>
    %dma_wait3A_59 = arith.constant 0 : i32
    %dma_wait3A_60 = arith.constant 0 : i32
    %dma_wait3A_61 = tpu.memref_slice %arg9[%dma_wait3A, %dma_wait3A_59, %dma_wait3A_60] : memref<2x128x128xf32, #tpu.memory_space<vmem>> -> memref<1x128x128xf32, #tpu.memory_space<vmem>>
    %dma_wait3A_62 = tpu.memref_squeeze %dma_wait3A_61 : memref<1x128x128xf32, #tpu.memory_space<vmem>> -> memref<128x128xf32, #tpu.memory_space<vmem>>
    %dma_wait3A_63 = arith.constant 0 : i32
    %dma_wait3A_64 = arith.constant 0 : i32
    %dma_wait3A_65 = tpu.memref_slice %arg4[%dma_wait3A_63, %dma_wait3A_64] : memref<1007616x128xf32, #tpu.memory_space<hbm>> -> memref<128x128xf32, #tpu.memory_space<hbm>>
    tpu.wait_dma2 semaphore(%arg11 : memref<!tpu.dma_semaphore, #tpu.memory_space<semaphore_mem>>) src(%dma_wait3A_65 : memref<128x128xf32, #tpu.memory_space<hbm>>) dst(%dma_wait3A_62 : memref<128x128xf32, #tpu.memory_space<vmem>>)
    %dma_wait3A_66 = arith.constant 0 : i32
    %dma_wait3A_67 = arith.constant 0 : i32
    %dma_wait3A_68 = arith.constant 0 : i32
    %dma_wait3A_69 = tpu.memref_slice %arg10[%dma_wait3A_66, %dma_wait3A_67, %dma_wait3A_68] : memref<2x128x128xf32, #tpu.memory_space<vmem>> -> memref<1x128x128xf32, #tpu.memory_space<vmem>>
    %dma_wait3A_70 = tpu.memref_squeeze %dma_wait3A_69 : memref<1x128x128xf32, #tpu.memory_space<vmem>> -> memref<128x128xf32, #tpu.memory_space<vmem>>
    %dma_wait3A_71 = arith.constant 0 : i32
    %dma_wait3A_72 = arith.constant 0 : i32
    %dma_wait3A_73 = tpu.memref_slice %arg4[%dma_wait3A_71, %dma_wait3A_72] : memref<1007616x128xf32, #tpu.memory_space<hbm>> -> memref<128x128xf32, #tpu.memory_space<hbm>>
    %dma_wait3A_74 = arith.constant 0 : i32
    %dma_wait3A_75 = arith.constant 0 : i32
    %dma_wait3A_76 = tpu.memref_slice %arg10[%dma_wait3A_66, %dma_wait3A_74, %dma_wait3A_75] : memref<2x128x128xf32, #tpu.memory_space<vmem>> -> memref<1x128x128xf32, #tpu.memory_space<vmem>>
    %dma_wait3A_77 = tpu.memref_squeeze %dma_wait3A_76 : memref<1x128x128xf32, #tpu.memory_space<vmem>> -> memref<128x128xf32, #tpu.memory_space<vmem>>
    %dma_wait3A_78 = arith.constant 0 : i32
    %dma_wait3A_79 = arith.constant 0 : i32
    %dma_wait3A_80 = tpu.memref_slice %arg4[%dma_wait3A_78, %dma_wait3A_79] : memref<1007616x128xf32, #tpu.memory_space<hbm>> -> memref<128x128xf32, #tpu.memory_space<hbm>>
    tpu.wait_dma2 semaphore(%arg11 : memref<!tpu.dma_semaphore, #tpu.memory_space<semaphore_mem>>) src(%dma_wait3A_80 : memref<128x128xf32, #tpu.memory_space<hbm>>) dst(%dma_wait3A_77 : memref<128x128xf32, #tpu.memory_space<vmem>>)
    %add3A_81 = arith.constant 0 : i32
    %add3A_82 = arith.addi %mul3A_2, %add3A_81 : i32
    %dma_start3A_83 = arith.constant 0 : i32
    %dma_start3A_84 = arith.constant 0 : i32
    %dma_start3A_85 = arith.constant 0 : i32
    %dma_start3A_86 = tpu.memref_slice %arg9[%dma_start3A_83, %dma_start3A_84, %dma_start3A_85] : memref<2x128x128xf32, #tpu.memory_space<vmem>> -> memref<1x128x64xf32, #tpu.memory_space<vmem>>
    %dma_start3A_87 = tpu.memref_squeeze %dma_start3A_86 : memref<1x128x64xf32, #tpu.memory_space<vmem>> -> memref<128x64xf32, #tpu.memory_space<vmem>>
    %dma_start3A_88 = arith.constant 0 : i32
    %dma_start3A_89 = tpu.memref_slice %arg6[%add3A_82, %dma_start3A_88] : memref<409600x128xf32, #tpu.memory_space<hbm>> -> memref<128x64xf32, #tpu.memory_space<hbm>>
    %dma_start3A_90 = arith.constant 0 : i32
    %dma_start3A_91 = tpu.memref_slice %arg6[%add3A_82, %dma_start3A_90] : memref<409600x128xf32, #tpu.memory_space<hbm>> -> memref<128x64xf32, #tpu.memory_space<hbm>>
    %dma_start3A_92 = arith.constant 0 : i32
    %dma_start3A_93 = arith.constant 0 : i32
    %dma_start3A_94 = tpu.memref_slice %arg9[%dma_start3A_83, %dma_start3A_92, %dma_start3A_93] : memref<2x128x128xf32, #tpu.memory_space<vmem>> -> memref<1x128x64xf32, #tpu.memory_space<vmem>>
    %dma_start3A_95 = tpu.memref_squeeze %dma_start3A_94 : memref<1x128x64xf32, #tpu.memory_space<vmem>> -> memref<128x64xf32, #tpu.memory_space<vmem>>
    tpu.enqueue_dma source(%dma_start3A_95 : memref<128x64xf32, #tpu.memory_space<vmem>>) target(%dma_start3A_91 : memref<128x64xf32, #tpu.memory_space<hbm>>) target_semaphore(%arg13 : memref<!tpu.dma_semaphore, #tpu.memory_space<semaphore_mem>>)
    %dma_start3A_96 = arith.constant 0 : i32
    %dma_start3A_97 = arith.constant 0 : i32
    %dma_start3A_98 = arith.constant 0 : i32
    %dma_start3A_99 = tpu.memref_slice %arg10[%dma_start3A_96, %dma_start3A_97, %dma_start3A_98] : memref<2x128x128xf32, #tpu.memory_space<vmem>> -> memref<1x128x64xf32, #tpu.memory_space<vmem>>
    %dma_start3A_100 = tpu.memref_squeeze %dma_start3A_99 : memref<1x128x64xf32, #tpu.memory_space<vmem>> -> memref<128x64xf32, #tpu.memory_space<vmem>>
    %dma_start3A_101 = arith.constant 64 : i32
    %dma_start3A_102 = tpu.memref_slice %arg6[%add3A_82, %dma_start3A_101] : memref<409600x128xf32, #tpu.memory_space<hbm>> -> memref<128x64xf32, #tpu.memory_space<hbm>>
    %dma_start3A_103 = arith.constant 64 : i32
    %dma_start3A_104 = tpu.memref_slice %arg6[%add3A_82, %dma_start3A_103] : memref<409600x128xf32, #tpu.memory_space<hbm>> -> memref<128x64xf32, #tpu.memory_space<hbm>>
    %dma_start3A_105 = arith.constant 0 : i32
    %dma_start3A_106 = arith.constant 0 : i32
    %dma_start3A_107 = tpu.memref_slice %arg10[%dma_start3A_96, %dma_start3A_105, %dma_start3A_106] : memref<2x128x128xf32, #tpu.memory_space<vmem>> -> memref<1x128x64xf32, #tpu.memory_space<vmem>>
    %dma_start3A_108 = tpu.memref_squeeze %dma_start3A_107 : memref<1x128x64xf32, #tpu.memory_space<vmem>> -> memref<128x64xf32, #tpu.memory_space<vmem>>
    tpu.enqueue_dma source(%dma_start3A_108 : memref<128x64xf32, #tpu.memory_space<vmem>>) target(%dma_start3A_104 : memref<128x64xf32, #tpu.memory_space<hbm>>) target_semaphore(%arg13 : memref<!tpu.dma_semaphore, #tpu.memory_space<semaphore_mem>>)
    %dma_wait3A_109 = arith.constant 0 : i32
    %dma_wait3A_110 = arith.constant 0 : i32
    %dma_wait3A_111 = arith.constant 0 : i32
    %dma_wait3A_112 = tpu.memref_slice %arg9[%dma_wait3A_109, %dma_wait3A_110, %dma_wait3A_111] : memref<2x128x128xf32, #tpu.memory_space<vmem>> -> memref<1x64x128xf32, #tpu.memory_space<vmem>>
    %dma_wait3A_113 = tpu.memref_squeeze %dma_wait3A_112 : memref<1x64x128xf32, #tpu.memory_space<vmem>> -> memref<64x128xf32, #tpu.memory_space<vmem>>
    %dma_wait3A_114 = arith.constant 0 : i32
    %dma_wait3A_115 = arith.constant 0 : i32
    %dma_wait3A_116 = tpu.memref_slice %arg4[%dma_wait3A_114, %dma_wait3A_115] : memref<1007616x128xf32, #tpu.memory_space<hbm>> -> memref<64x128xf32, #tpu.memory_space<hbm>>
    %dma_wait3A_117 = arith.constant 0 : i32
    %dma_wait3A_118 = arith.constant 0 : i32
    %dma_wait3A_119 = tpu.memref_slice %arg9[%dma_wait3A_109, %dma_wait3A_117, %dma_wait3A_118] : memref<2x128x128xf32, #tpu.memory_space<vmem>> -> memref<1x64x128xf32, #tpu.memory_space<vmem>>
    %dma_wait3A_120 = tpu.memref_squeeze %dma_wait3A_119 : memref<1x64x128xf32, #tpu.memory_space<vmem>> -> memref<64x128xf32, #tpu.memory_space<vmem>>
    %dma_wait3A_121 = arith.constant 0 : i32
    %dma_wait3A_122 = arith.constant 0 : i32
    %dma_wait3A_123 = tpu.memref_slice %arg4[%dma_wait3A_121, %dma_wait3A_122] : memref<1007616x128xf32, #tpu.memory_space<hbm>> -> memref<64x128xf32, #tpu.memory_space<hbm>>
    tpu.wait_dma2 semaphore(%arg13 : memref<!tpu.dma_semaphore, #tpu.memory_space<semaphore_mem>>) src(%dma_wait3A_123 : memref<64x128xf32, #tpu.memory_space<hbm>>) dst(%dma_wait3A_120 : memref<64x128xf32, #tpu.memory_space<vmem>>)
    %dma_wait3A_124 = arith.constant 0 : i32
    %dma_wait3A_125 = arith.constant 0 : i32
    %dma_wait3A_126 = arith.constant 0 : i32
    %dma_wait3A_127 = tpu.memref_slice %arg10[%dma_wait3A_124, %dma_wait3A_125, %dma_wait3A_126] : memref<2x128x128xf32, #tpu.memory_space<vmem>> -> memref<1x64x128xf32, #tpu.memory_space<vmem>>
    %dma_wait3A_128 = tpu.memref_squeeze %dma_wait3A_127 : memref<1x64x128xf32, #tpu.memory_space<vmem>> -> memref<64x128xf32, #tpu.memory_space<vmem>>
    %dma_wait3A_129 = arith.constant 0 : i32
    %dma_wait3A_130 = arith.constant 0 : i32
    %dma_wait3A_131 = tpu.memref_slice %arg4[%dma_wait3A_129, %dma_wait3A_130] : memref<1007616x128xf32, #tpu.memory_space<hbm>> -> memref<64x128xf32, #tpu.memory_space<hbm>>
    %dma_wait3A_132 = arith.constant 0 : i32
    %dma_wait3A_133 = arith.constant 0 : i32
    %dma_wait3A_134 = tpu.memref_slice %arg10[%dma_wait3A_124, %dma_wait3A_132, %dma_wait3A_133] : memref<2x128x128xf32, #tpu.memory_space<vmem>> -> memref<1x64x128xf32, #tpu.memory_space<vmem>>
    %dma_wait3A_135 = tpu.memref_squeeze %dma_wait3A_134 : memref<1x64x128xf32, #tpu.memory_space<vmem>> -> memref<64x128xf32, #tpu.memory_space<vmem>>
    %dma_wait3A_136 = arith.constant 0 : i32
    %dma_wait3A_137 = arith.constant 0 : i32
    %dma_wait3A_138 = tpu.memref_slice %arg4[%dma_wait3A_136, %dma_wait3A_137] : memref<1007616x128xf32, #tpu.memory_space<hbm>> -> memref<64x128xf32, #tpu.memory_space<hbm>>
    tpu.wait_dma2 semaphore(%arg13 : memref<!tpu.dma_semaphore, #tpu.memory_space<semaphore_mem>>) src(%dma_wait3A_138 : memref<64x128xf32, #tpu.memory_space<hbm>>) dst(%dma_wait3A_135 : memref<64x128xf32, #tpu.memory_space<vmem>>)
    %dma_start3A_139 = arith.constant 2 : i32
    %dma_start3A_140 = arith.constant 0 : i32
    %dma_start3A_141 = arith.constant 0 : i32
    %dma_start3A_142 = arith.constant 0 : i32
    %dma_start3A_143 = tpu.memref_slice %arg9[%dma_start3A_140, %dma_start3A_141, %dma_start3A_142] : memref<2x128x128xf32, #tpu.memory_space<vmem>> -> memref<1x128x128xf32, #tpu.memory_space<vmem>>
    %dma_start3A_144 = tpu.memref_squeeze %dma_start3A_143 : memref<1x128x128xf32, #tpu.memory_space<vmem>> -> memref<128x128xf32, #tpu.memory_space<vmem>>
    %dma_start3A_145 = arith.constant 0 : i32
    %dma_start3A_146 = tpu.memref_slice %arg7[%dma_start3A_139, %dma_start3A_145] : memref<100x128xi32, #tpu.memory_space<vmem>> -> memref<1x128xi32, #tpu.memory_space<vmem>>
    %dma_start3A_147 = tpu.memref_squeeze %dma_start3A_146 : memref<1x128xi32, #tpu.memory_space<vmem>> -> memref<128xi32, #tpu.memory_space<vmem>>
    %dma_start3A_148 = arith.constant 0 : i32
    %dma_start3A_149 = arith.constant 0 : i32
    %dma_start3A_150 = tpu.memref_slice %arg4[%dma_start3A_148, %dma_start3A_149] : memref<1007616x128xf32, #tpu.memory_space<hbm>> -> memref<1007616x128xf32, #tpu.memory_space<hbm>>
    tpu.enqueue_indirect_dma source(%dma_start3A_150 : memref<1007616x128xf32, #tpu.memory_space<hbm>>) target(%dma_start3A_144 : memref<128x128xf32, #tpu.memory_space<vmem>>) offsets(%dma_start3A_147 : memref<128xi32, #tpu.memory_space<vmem>>) semaphore(%arg11 : memref<!tpu.dma_semaphore, #tpu.memory_space<semaphore_mem>>)
    %dma_start3A_151 = arith.constant 2 : i32
    %dma_start3A_152 = arith.constant 0 : i32
    %dma_start3A_153 = arith.constant 0 : i32
    %dma_start3A_154 = arith.constant 0 : i32
    %dma_start3A_155 = tpu.memref_slice %arg10[%dma_start3A_152, %dma_start3A_153, %dma_start3A_154] : memref<2x128x128xf32, #tpu.memory_space<vmem>> -> memref<1x128x128xf32, #tpu.memory_space<vmem>>
    %dma_start3A_156 = tpu.memref_squeeze %dma_start3A_155 : memref<1x128x128xf32, #tpu.memory_space<vmem>> -> memref<128x128xf32, #tpu.memory_space<vmem>>
    %dma_start3A_157 = arith.constant 0 : i32
    %dma_start3A_158 = tpu.memref_slice %arg8[%dma_start3A_151, %dma_start3A_157] : memref<100x128xi32, #tpu.memory_space<vmem>> -> memref<1x128xi32, #tpu.memory_space<vmem>>
    %dma_start3A_159 = tpu.memref_squeeze %dma_start3A_158 : memref<1x128xi32, #tpu.memory_space<vmem>> -> memref<128xi32, #tpu.memory_space<vmem>>
    %dma_start3A_160 = arith.constant 0 : i32
    %dma_start3A_161 = arith.constant 0 : i32
    %dma_start3A_162 = tpu.memref_slice %arg5[%dma_start3A_160, %dma_start3A_161] : memref<106496x128xf32, #tpu.memory_space<hbm>> -> memref<106496x128xf32, #tpu.memory_space<hbm>>
    tpu.enqueue_indirect_dma source(%dma_start3A_162 : memref<106496x128xf32, #tpu.memory_space<hbm>>) target(%dma_start3A_156 : memref<128x128xf32, #tpu.memory_space<vmem>>) offsets(%dma_start3A_159 : memref<128xi32, #tpu.memory_space<vmem>>) semaphore(%arg11 : memref<!tpu.dma_semaphore, #tpu.memory_space<semaphore_mem>>)
    %dma_wait3A_163 = arith.constant 1 : i32
    %dma_wait3A_164 = arith.constant 0 : i32
    %dma_wait3A_165 = arith.constant 0 : i32
    %dma_wait3A_166 = tpu.memref_slice %arg9[%dma_wait3A_163, %dma_wait3A_164, %dma_wait3A_165] : memref<2x128x128xf32, #tpu.memory_space<vmem>> -> memref<1x128x128xf32, #tpu.memory_space<vmem>>
    %dma_wait3A_167 = tpu.memref_squeeze %dma_wait3A_166 : memref<1x128x128xf32, #tpu.memory_space<vmem>> -> memref<128x128xf32, #tpu.memory_space<vmem>>
    %dma_wait3A_168 = arith.constant 0 : i32
    %dma_wait3A_169 = arith.constant 0 : i32
    %dma_wait3A_170 = tpu.memref_slice %arg4[%dma_wait3A_168, %dma_wait3A_169] : memref<1007616x128xf32, #tpu.memory_space<hbm>> -> memref<128x128xf32, #tpu.memory_space<hbm>>
    %dma_wait3A_171 = arith.constant 0 : i32
    %dma_wait3A_172 = arith.constant 0 : i32
    %dma_wait3A_173 = tpu.memref_slice %arg9[%dma_wait3A_163, %dma_wait3A_171, %dma_wait3A_172] : memref<2x128x128xf32, #tpu.memory_space<vmem>> -> memref<1x128x128xf32, #tpu.memory_space<vmem>>
    %dma_wait3A_174 = tpu.memref_squeeze %dma_wait3A_173 : memref<1x128x128xf32, #tpu.memory_space<vmem>> -> memref<128x128xf32, #tpu.memory_space<vmem>>
    %dma_wait3A_175 = arith.constant 0 : i32
    %dma_wait3A_176 = arith.constant 0 : i32
    %dma_wait3A_177 = tpu.memref_slice %arg4[%dma_wait3A_175, %dma_wait3A_176] : memref<1007616x128xf32, #tpu.memory_space<hbm>> -> memref<128x128xf32, #tpu.memory_space<hbm>>
    tpu.wait_dma2 semaphore(%arg12 : memref<!tpu.dma_semaphore, #tpu.memory_space<semaphore_mem>>) src(%dma_wait3A_177 : memref<128x128xf32, #tpu.memory_space<hbm>>) dst(%dma_wait3A_174 : memref<128x128xf32, #tpu.memory_space<vmem>>)
    %dma_wait3A_178 = arith.constant 1 : i32
    %dma_wait3A_179 = arith.constant 0 : i32
    %dma_wait3A_180 = arith.constant 0 : i32
    %dma_wait3A_181 = tpu.memref_slice %arg10[%dma_wait3A_178, %dma_wait3A_179, %dma_wait3A_180] : memref<2x128x128xf32, #tpu.memory_space<vmem>> -> memref<1x128x128xf32, #tpu.memory_space<vmem>>
    %dma_wait3A_182 = tpu.memref_squeeze %dma_wait3A_181 : memref<1x128x128xf32, #tpu.memory_space<vmem>> -> memref<128x128xf32, #tpu.memory_space<vmem>>
    %dma_wait3A_183 = arith.constant 0 : i32
    %dma_wait3A_184 = arith.constant 0 : i32
    %dma_wait3A_185 = tpu.memref_slice %arg4[%dma_wait3A_183, %dma_wait3A_184] : memref<1007616x128xf32, #tpu.memory_space<hbm>> -> memref<128x128xf32, #tpu.memory_space<hbm>>
    %dma_wait3A_186 = arith.constant 0 : i32
    %dma_wait3A_187 = arith.constant 0 : i32
    %dma_wait3A_188 = tpu.memref_slice %arg10[%dma_wait3A_178, %dma_wait3A_186, %dma_wait3A_187] : memref<2x128x128xf32, #tpu.memory_space<vmem>> -> memref<1x128x128xf32, #tpu.memory_space<vmem>>
    %dma_wait3A_189 = tpu.memref_squeeze %dma_wait3A_188 : memref<1x128x128xf32, #tpu.memory_space<vmem>> -> memref<128x128xf32, #tpu.memory_space<vmem>>
    %dma_wait3A_190 = arith.constant 0 : i32
    %dma_wait3A_191 = arith.constant 0 : i32
    %dma_wait3A_192 = tpu.memref_slice %arg4[%dma_wait3A_190, %dma_wait3A_191] : memref<1007616x128xf32, #tpu.memory_space<hbm>> -> memref<128x128xf32, #tpu.memory_space<hbm>>
    tpu.wait_dma2 semaphore(%arg12 : memref<!tpu.dma_semaphore, #tpu.memory_space<semaphore_mem>>) src(%dma_wait3A_192 : memref<128x128xf32, #tpu.memory_space<hbm>>) dst(%dma_wait3A_189 : memref<128x128xf32, #tpu.memory_space<vmem>>)
    %add3A_193 = arith.constant 128 : i32
    %add3A_194 = arith.addi %mul3A_2, %add3A_193 : i32
    %dma_start3A_195 = arith.constant 1 : i32
    %dma_start3A_196 = arith.constant 0 : i32
    %dma_start3A_197 = arith.constant 0 : i32
    %dma_start3A_198 = tpu.memref_slice %arg9[%dma_start3A_195, %dma_start3A_196, %dma_start3A_197] : memref<2x128x128xf32, #tpu.memory_space<vmem>> -> memref<1x128x64xf32, #tpu.memory_space<vmem>>
    %dma_start3A_199 = tpu.memref_squeeze %dma_start3A_198 : memref<1x128x64xf32, #tpu.memory_space<vmem>> -> memref<128x64xf32, #tpu.memory_space<vmem>>
    %dma_start3A_200 = arith.constant 0 : i32
    %dma_start3A_201 = tpu.memref_slice %arg6[%add3A_194, %dma_start3A_200] : memref<409600x128xf32, #tpu.memory_space<hbm>> -> memref<128x64xf32, #tpu.memory_space<hbm>>
    %dma_start3A_202 = arith.constant 0 : i32
    %dma_start3A_203 = tpu.memref_slice %arg6[%add3A_194, %dma_start3A_202] : memref<409600x128xf32, #tpu.memory_space<hbm>> -> memref<128x64xf32, #tpu.memory_space<hbm>>
    %dma_start3A_204 = arith.constant 0 : i32
    %dma_start3A_205 = arith.constant 0 : i32
    %dma_start3A_206 = tpu.memref_slice %arg9[%dma_start3A_195, %dma_start3A_204, %dma_start3A_205] : memref<2x128x128xf32, #tpu.memory_space<vmem>> -> memref<1x128x64xf32, #tpu.memory_space<vmem>>
    %dma_start3A_207 = tpu.memref_squeeze %dma_start3A_206 : memref<1x128x64xf32, #tpu.memory_space<vmem>> -> memref<128x64xf32, #tpu.memory_space<vmem>>
    tpu.enqueue_dma source(%dma_start3A_207 : memref<128x64xf32, #tpu.memory_space<vmem>>) target(%dma_start3A_203 : memref<128x64xf32, #tpu.memory_space<hbm>>) target_semaphore(%arg14 : memref<!tpu.dma_semaphore, #tpu.memory_space<semaphore_mem>>)
    %dma_start3A_208 = arith.constant 1 : i32
    %dma_start3A_209 = arith.constant 0 : i32
    %dma_start3A_210 = arith.constant 0 : i32
    %dma_start3A_211 = tpu.memref_slice %arg10[%dma_start3A_208, %dma_start3A_209, %dma_start3A_210] : memref<2x128x128xf32, #tpu.memory_space<vmem>> -> memref<1x128x64xf32, #tpu.memory_space<vmem>>
    %dma_start3A_212 = tpu.memref_squeeze %dma_start3A_211 : memref<1x128x64xf32, #tpu.memory_space<vmem>> -> memref<128x64xf32, #tpu.memory_space<vmem>>
    %dma_start3A_213 = arith.constant 64 : i32
    %dma_start3A_214 = tpu.memref_slice %arg6[%add3A_194, %dma_start3A_213] : memref<409600x128xf32, #tpu.memory_space<hbm>> -> memref<128x64xf32, #tpu.memory_space<hbm>>
    %dma_start3A_215 = arith.constant 64 : i32
    %dma_start3A_216 = tpu.memref_slice %arg6[%add3A_194, %dma_start3A_215] : memref<409600x128xf32, #tpu.memory_space<hbm>> -> memref<128x64xf32, #tpu.memory_space<hbm>>
    %dma_start3A_217 = arith.constant 0 : i32
    %dma_start3A_218 = arith.constant 0 : i32
    %dma_start3A_219 = tpu.memref_slice %arg10[%dma_start3A_208, %dma_start3A_217, %dma_start3A_218] : memref<2x128x128xf32, #tpu.memory_space<vmem>> -> memref<1x128x64xf32, #tpu.memory_space<vmem>>
    %dma_start3A_220 = tpu.memref_squeeze %dma_start3A_219 : memref<1x128x64xf32, #tpu.memory_space<vmem>> -> memref<128x64xf32, #tpu.memory_space<vmem>>
    tpu.enqueue_dma source(%dma_start3A_220 : memref<128x64xf32, #tpu.memory_space<vmem>>) target(%dma_start3A_216 : memref<128x64xf32, #tpu.memory_space<hbm>>) target_semaphore(%arg14 : memref<!tpu.dma_semaphore, #tpu.memory_space<semaphore_mem>>)
    %scan3A = arith.constant 0 : i32
    %scan3A_221 = arith.constant 1 : i32
    %scan3A_222 = arith.constant 48 : i32
    %scan3A_223 = arith.addi %scan3A_221, %scan3A_222 : i32
    %scan3A_224 = arith.constant 1 : i32
    scf.for %scan3A_456 = %scan3A_221 to %scan3A_223 step %scan3A_224  : i32 {
      %mul3A_457 = arith.constant 2 : i32
      %mul3A_458 = arith.muli %mul3A_457, %scan3A_456 : i32
      %add3A_459 = arith.constant 1 : i32
      %add3A_460 = arith.addi %mul3A_458, %add3A_459 : i32
      %dma_wait3A_461 = arith.constant 1 : i32
      %dma_wait3A_462 = arith.constant 0 : i32
      %dma_wait3A_463 = arith.constant 0 : i32
      %dma_wait3A_464 = tpu.memref_slice %arg9[%dma_wait3A_461, %dma_wait3A_462, %dma_wait3A_463] : memref<2x128x128xf32, #tpu.memory_space<vmem>> -> memref<1x64x128xf32, #tpu.memory_space<vmem>>
      %dma_wait3A_465 = tpu.memref_squeeze %dma_wait3A_464 : memref<1x64x128xf32, #tpu.memory_space<vmem>> -> memref<64x128xf32, #tpu.memory_space<vmem>>
      %dma_wait3A_466 = arith.constant 0 : i32
      %dma_wait3A_467 = arith.constant 0 : i32
      %dma_wait3A_468 = tpu.memref_slice %arg4[%dma_wait3A_466, %dma_wait3A_467] : memref<1007616x128xf32, #tpu.memory_space<hbm>> -> memref<64x128xf32, #tpu.memory_space<hbm>>
      %dma_wait3A_469 = arith.constant 0 : i32
      %dma_wait3A_470 = arith.constant 0 : i32
      %dma_wait3A_471 = tpu.memref_slice %arg9[%dma_wait3A_461, %dma_wait3A_469, %dma_wait3A_470] : memref<2x128x128xf32, #tpu.memory_space<vmem>> -> memref<1x64x128xf32, #tpu.memory_space<vmem>>
      %dma_wait3A_472 = tpu.memref_squeeze %dma_wait3A_471 : memref<1x64x128xf32, #tpu.memory_space<vmem>> -> memref<64x128xf32, #tpu.memory_space<vmem>>
      %dma_wait3A_473 = arith.constant 0 : i32
      %dma_wait3A_474 = arith.constant 0 : i32
      %dma_wait3A_475 = tpu.memref_slice %arg4[%dma_wait3A_473, %dma_wait3A_474] : memref<1007616x128xf32, #tpu.memory_space<hbm>> -> memref<64x128xf32, #tpu.memory_space<hbm>>
      tpu.wait_dma2 semaphore(%arg14 : memref<!tpu.dma_semaphore, #tpu.memory_space<semaphore_mem>>) src(%dma_wait3A_475 : memref<64x128xf32, #tpu.memory_space<hbm>>) dst(%dma_wait3A_472 : memref<64x128xf32, #tpu.memory_space<vmem>>)
      %dma_wait3A_476 = arith.constant 1 : i32
      %dma_wait3A_477 = arith.constant 0 : i32
      %dma_wait3A_478 = arith.constant 0 : i32
      %dma_wait3A_479 = tpu.memref_slice %arg10[%dma_wait3A_476, %dma_wait3A_477, %dma_wait3A_478] : memref<2x128x128xf32, #tpu.memory_space<vmem>> -> memref<1x64x128xf32, #tpu.memory_space<vmem>>
      %dma_wait3A_480 = tpu.memref_squeeze %dma_wait3A_479 : memref<1x64x128xf32, #tpu.memory_space<vmem>> -> memref<64x128xf32, #tpu.memory_space<vmem>>
      %dma_wait3A_481 = arith.constant 0 : i32
      %dma_wait3A_482 = arith.constant 0 : i32
      %dma_wait3A_483 = tpu.memref_slice %arg4[%dma_wait3A_481, %dma_wait3A_482] : memref<1007616x128xf32, #tpu.memory_space<hbm>> -> memref<64x128xf32, #tpu.memory_space<hbm>>
      %dma_wait3A_484 = arith.constant 0 : i32
      %dma_wait3A_485 = arith.constant 0 : i32
      %dma_wait3A_486 = tpu.memref_slice %arg10[%dma_wait3A_476, %dma_wait3A_484, %dma_wait3A_485] : memref<2x128x128xf32, #tpu.memory_space<vmem>> -> memref<1x64x128xf32, #tpu.memory_space<vmem>>
      %dma_wait3A_487 = tpu.memref_squeeze %dma_wait3A_486 : memref<1x64x128xf32, #tpu.memory_space<vmem>> -> memref<64x128xf32, #tpu.memory_space<vmem>>
      %dma_wait3A_488 = arith.constant 0 : i32
      %dma_wait3A_489 = arith.constant 0 : i32
      %dma_wait3A_490 = tpu.memref_slice %arg4[%dma_wait3A_488, %dma_wait3A_489] : memref<1007616x128xf32, #tpu.memory_space<hbm>> -> memref<64x128xf32, #tpu.memory_space<hbm>>
      tpu.wait_dma2 semaphore(%arg14 : memref<!tpu.dma_semaphore, #tpu.memory_space<semaphore_mem>>) src(%dma_wait3A_490 : memref<64x128xf32, #tpu.memory_space<hbm>>) dst(%dma_wait3A_487 : memref<64x128xf32, #tpu.memory_space<vmem>>)
      %dma_start3A_491 = arith.constant 1 : i32
      %dma_start3A_492 = arith.constant 0 : i32
      %dma_start3A_493 = arith.constant 0 : i32
      %dma_start3A_494 = tpu.memref_slice %arg9[%dma_start3A_491, %dma_start3A_492, %dma_start3A_493] : memref<2x128x128xf32, #tpu.memory_space<vmem>> -> memref<1x128x128xf32, #tpu.memory_space<vmem>>
      %dma_start3A_495 = tpu.memref_squeeze %dma_start3A_494 : memref<1x128x128xf32, #tpu.memory_space<vmem>> -> memref<128x128xf32, #tpu.memory_space<vmem>>
      %dma_start3A_496 = arith.constant 0 : i32
      %dma_start3A_497 = tpu.memref_slice %arg7[%add3A_460, %dma_start3A_496] : memref<100x128xi32, #tpu.memory_space<vmem>> -> memref<1x128xi32, #tpu.memory_space<vmem>>
      %dma_start3A_498 = tpu.memref_squeeze %dma_start3A_497 : memref<1x128xi32, #tpu.memory_space<vmem>> -> memref<128xi32, #tpu.memory_space<vmem>>
      %dma_start3A_499 = arith.constant 0 : i32
      %dma_start3A_500 = arith.constant 0 : i32
      %dma_start3A_501 = tpu.memref_slice %arg4[%dma_start3A_499, %dma_start3A_500] : memref<1007616x128xf32, #tpu.memory_space<hbm>> -> memref<1007616x128xf32, #tpu.memory_space<hbm>>
      tpu.enqueue_indirect_dma source(%dma_start3A_501 : memref<1007616x128xf32, #tpu.memory_space<hbm>>) target(%dma_start3A_495 : memref<128x128xf32, #tpu.memory_space<vmem>>) offsets(%dma_start3A_498 : memref<128xi32, #tpu.memory_space<vmem>>) semaphore(%arg12 : memref<!tpu.dma_semaphore, #tpu.memory_space<semaphore_mem>>)
      %dma_start3A_502 = arith.constant 1 : i32
      %dma_start3A_503 = arith.constant 0 : i32
      %dma_start3A_504 = arith.constant 0 : i32
      %dma_start3A_505 = tpu.memref_slice %arg10[%dma_start3A_502, %dma_start3A_503, %dma_start3A_504] : memref<2x128x128xf32, #tpu.memory_space<vmem>> -> memref<1x128x128xf32, #tpu.memory_space<vmem>>
      %dma_start3A_506 = tpu.memref_squeeze %dma_start3A_505 : memref<1x128x128xf32, #tpu.memory_space<vmem>> -> memref<128x128xf32, #tpu.memory_space<vmem>>
      %dma_start3A_507 = arith.constant 0 : i32
      %dma_start3A_508 = tpu.memref_slice %arg8[%add3A_460, %dma_start3A_507] : memref<100x128xi32, #tpu.memory_space<vmem>> -> memref<1x128xi32, #tpu.memory_space<vmem>>
      %dma_start3A_509 = tpu.memref_squeeze %dma_start3A_508 : memref<1x128xi32, #tpu.memory_space<vmem>> -> memref<128xi32, #tpu.memory_space<vmem>>
      %dma_start3A_510 = arith.constant 0 : i32
      %dma_start3A_511 = arith.constant 0 : i32
      %dma_start3A_512 = tpu.memref_slice %arg5[%dma_start3A_510, %dma_start3A_511] : memref<106496x128xf32, #tpu.memory_space<hbm>> -> memref<106496x128xf32, #tpu.memory_space<hbm>>
      tpu.enqueue_indirect_dma source(%dma_start3A_512 : memref<106496x128xf32, #tpu.memory_space<hbm>>) target(%dma_start3A_506 : memref<128x128xf32, #tpu.memory_space<vmem>>) offsets(%dma_start3A_509 : memref<128xi32, #tpu.memory_space<vmem>>) semaphore(%arg12 : memref<!tpu.dma_semaphore, #tpu.memory_space<semaphore_mem>>)
      %dma_wait3A_513 = arith.constant 0 : i32
      %dma_wait3A_514 = arith.constant 0 : i32
      %dma_wait3A_515 = arith.constant 0 : i32
      %dma_wait3A_516 = tpu.memref_slice %arg9[%dma_wait3A_513, %dma_wait3A_514, %dma_wait3A_515] : memref<2x128x128xf32, #tpu.memory_space<vmem>> -> memref<1x128x128xf32, #tpu.memory_space<vmem>>
      %dma_wait3A_517 = tpu.memref_squeeze %dma_wait3A_516 : memref<1x128x128xf32, #tpu.memory_space<vmem>> -> memref<128x128xf32, #tpu.memory_space<vmem>>
      %dma_wait3A_518 = arith.constant 0 : i32
      %dma_wait3A_519 = arith.constant 0 : i32
      %dma_wait3A_520 = tpu.memref_slice %arg4[%dma_wait3A_518, %dma_wait3A_519] : memref<1007616x128xf32, #tpu.memory_space<hbm>> -> memref<128x128xf32, #tpu.memory_space<hbm>>
      %dma_wait3A_521 = arith.constant 0 : i32
      %dma_wait3A_522 = arith.constant 0 : i32
      %dma_wait3A_523 = tpu.memref_slice %arg9[%dma_wait3A_513, %dma_wait3A_521, %dma_wait3A_522] : memref<2x128x128xf32, #tpu.memory_space<vmem>> -> memref<1x128x128xf32, #tpu.memory_space<vmem>>
      %dma_wait3A_524 = tpu.memref_squeeze %dma_wait3A_523 : memref<1x128x128xf32, #tpu.memory_space<vmem>> -> memref<128x128xf32, #tpu.memory_space<vmem>>
      %dma_wait3A_525 = arith.constant 0 : i32
      %dma_wait3A_526 = arith.constant 0 : i32
      %dma_wait3A_527 = tpu.memref_slice %arg4[%dma_wait3A_525, %dma_wait3A_526] : memref<1007616x128xf32, #tpu.memory_space<hbm>> -> memref<128x128xf32, #tpu.memory_space<hbm>>
      tpu.wait_dma2 semaphore(%arg11 : memref<!tpu.dma_semaphore, #tpu.memory_space<semaphore_mem>>) src(%dma_wait3A_527 : memref<128x128xf32, #tpu.memory_space<hbm>>) dst(%dma_wait3A_524 : memref<128x128xf32, #tpu.memory_space<vmem>>)
      %dma_wait3A_528 = arith.constant 0 : i32
      %dma_wait3A_529 = arith.constant 0 : i32
      %dma_wait3A_530 = arith.constant 0 : i32
      %dma_wait3A_531 = tpu.memref_slice %arg10[%dma_wait3A_528, %dma_wait3A_529, %dma_wait3A_530] : memref<2x128x128xf32, #tpu.memory_space<vmem>> -> memref<1x128x128xf32, #tpu.memory_space<vmem>>
      %dma_wait3A_532 = tpu.memref_squeeze %dma_wait3A_531 : memref<1x128x128xf32, #tpu.memory_space<vmem>> -> memref<128x128xf32, #tpu.memory_space<vmem>>
      %dma_wait3A_533 = arith.constant 0 : i32
      %dma_wait3A_534 = arith.constant 0 : i32
      %dma_wait3A_535 = tpu.memref_slice %arg4[%dma_wait3A_533, %dma_wait3A_534] : memref<1007616x128xf32, #tpu.memory_space<hbm>> -> memref<128x128xf32, #tpu.memory_space<hbm>>
      %dma_wait3A_536 = arith.constant 0 : i32
      %dma_wait3A_537 = arith.constant 0 : i32
      %dma_wait3A_538 = tpu.memref_slice %arg10[%dma_wait3A_528, %dma_wait3A_536, %dma_wait3A_537] : memref<2x128x128xf32, #tpu.memory_space<vmem>> -> memref<1x128x128xf32, #tpu.memory_space<vmem>>
      %dma_wait3A_539 = tpu.memref_squeeze %dma_wait3A_538 : memref<1x128x128xf32, #tpu.memory_space<vmem>> -> memref<128x128xf32, #tpu.memory_space<vmem>>
      %dma_wait3A_540 = arith.constant 0 : i32
      %dma_wait3A_541 = arith.constant 0 : i32
      %dma_wait3A_542 = tpu.memref_slice %arg4[%dma_wait3A_540, %dma_wait3A_541] : memref<1007616x128xf32, #tpu.memory_space<hbm>> -> memref<128x128xf32, #tpu.memory_space<hbm>>
      tpu.wait_dma2 semaphore(%arg11 : memref<!tpu.dma_semaphore, #tpu.memory_space<semaphore_mem>>) src(%dma_wait3A_542 : memref<128x128xf32, #tpu.memory_space<hbm>>) dst(%dma_wait3A_539 : memref<128x128xf32, #tpu.memory_space<vmem>>)
      %mul3A_543 = arith.constant 128 : i32
      %mul3A_544 = arith.muli %mul3A_458, %mul3A_543 : i32
      %add3A_545 = arith.addi %mul3A_2, %mul3A_544 : i32
      %dma_start3A_546 = arith.constant 0 : i32
      %dma_start3A_547 = arith.constant 0 : i32
      %dma_start3A_548 = arith.constant 0 : i32
      %dma_start3A_549 = tpu.memref_slice %arg9[%dma_start3A_546, %dma_start3A_547, %dma_start3A_548] : memref<2x128x128xf32, #tpu.memory_space<vmem>> -> memref<1x128x64xf32, #tpu.memory_space<vmem>>
      %dma_start3A_550 = tpu.memref_squeeze %dma_start3A_549 : memref<1x128x64xf32, #tpu.memory_space<vmem>> -> memref<128x64xf32, #tpu.memory_space<vmem>>
      %dma_start3A_551 = arith.constant 0 : i32
      %dma_start3A_552 = tpu.memref_slice %arg6[%add3A_545, %dma_start3A_551] : memref<409600x128xf32, #tpu.memory_space<hbm>> -> memref<128x64xf32, #tpu.memory_space<hbm>>
      %dma_start3A_553 = arith.constant 0 : i32
      %dma_start3A_554 = tpu.memref_slice %arg6[%add3A_545, %dma_start3A_553] : memref<409600x128xf32, #tpu.memory_space<hbm>> -> memref<128x64xf32, #tpu.memory_space<hbm>>
      %dma_start3A_555 = arith.constant 0 : i32
      %dma_start3A_556 = arith.constant 0 : i32
      %dma_start3A_557 = tpu.memref_slice %arg9[%dma_start3A_546, %dma_start3A_555, %dma_start3A_556] : memref<2x128x128xf32, #tpu.memory_space<vmem>> -> memref<1x128x64xf32, #tpu.memory_space<vmem>>
      %dma_start3A_558 = tpu.memref_squeeze %dma_start3A_557 : memref<1x128x64xf32, #tpu.memory_space<vmem>> -> memref<128x64xf32, #tpu.memory_space<vmem>>
      tpu.enqueue_dma source(%dma_start3A_558 : memref<128x64xf32, #tpu.memory_space<vmem>>) target(%dma_start3A_554 : memref<128x64xf32, #tpu.memory_space<hbm>>) target_semaphore(%arg13 : memref<!tpu.dma_semaphore, #tpu.memory_space<semaphore_mem>>)
      %dma_start3A_559 = arith.constant 0 : i32
      %dma_start3A_560 = arith.constant 0 : i32
      %dma_start3A_561 = arith.constant 0 : i32
      %dma_start3A_562 = tpu.memref_slice %arg10[%dma_start3A_559, %dma_start3A_560, %dma_start3A_561] : memref<2x128x128xf32, #tpu.memory_space<vmem>> -> memref<1x128x64xf32, #tpu.memory_space<vmem>>
      %dma_start3A_563 = tpu.memref_squeeze %dma_start3A_562 : memref<1x128x64xf32, #tpu.memory_space<vmem>> -> memref<128x64xf32, #tpu.memory_space<vmem>>
      %dma_start3A_564 = arith.constant 64 : i32
      %dma_start3A_565 = tpu.memref_slice %arg6[%add3A_545, %dma_start3A_564] : memref<409600x128xf32, #tpu.memory_space<hbm>> -> memref<128x64xf32, #tpu.memory_space<hbm>>
      %dma_start3A_566 = arith.constant 64 : i32
      %dma_start3A_567 = tpu.memref_slice %arg6[%add3A_545, %dma_start3A_566] : memref<409600x128xf32, #tpu.memory_space<hbm>> -> memref<128x64xf32, #tpu.memory_space<hbm>>
      %dma_start3A_568 = arith.constant 0 : i32
      %dma_start3A_569 = arith.constant 0 : i32
      %dma_start3A_570 = tpu.memref_slice %arg10[%dma_start3A_559, %dma_start3A_568, %dma_start3A_569] : memref<2x128x128xf32, #tpu.memory_space<vmem>> -> memref<1x128x64xf32, #tpu.memory_space<vmem>>
      %dma_start3A_571 = tpu.memref_squeeze %dma_start3A_570 : memref<1x128x64xf32, #tpu.memory_space<vmem>> -> memref<128x64xf32, #tpu.memory_space<vmem>>
      tpu.enqueue_dma source(%dma_start3A_571 : memref<128x64xf32, #tpu.memory_space<vmem>>) target(%dma_start3A_567 : memref<128x64xf32, #tpu.memory_space<hbm>>) target_semaphore(%arg13 : memref<!tpu.dma_semaphore, #tpu.memory_space<semaphore_mem>>)
      %dma_wait3A_572 = arith.constant 0 : i32
      %dma_wait3A_573 = arith.constant 0 : i32
      %dma_wait3A_574 = arith.constant 0 : i32
      %dma_wait3A_575 = tpu.memref_slice %arg9[%dma_wait3A_572, %dma_wait3A_573, %dma_wait3A_574] : memref<2x128x128xf32, #tpu.memory_space<vmem>> -> memref<1x64x128xf32, #tpu.memory_space<vmem>>
      %dma_wait3A_576 = tpu.memref_squeeze %dma_wait3A_575 : memref<1x64x128xf32, #tpu.memory_space<vmem>> -> memref<64x128xf32, #tpu.memory_space<vmem>>
      %dma_wait3A_577 = arith.constant 0 : i32
      %dma_wait3A_578 = arith.constant 0 : i32
      %dma_wait3A_579 = tpu.memref_slice %arg4[%dma_wait3A_577, %dma_wait3A_578] : memref<1007616x128xf32, #tpu.memory_space<hbm>> -> memref<64x128xf32, #tpu.memory_space<hbm>>
      %dma_wait3A_580 = arith.constant 0 : i32
      %dma_wait3A_581 = arith.constant 0 : i32
      %dma_wait3A_582 = tpu.memref_slice %arg9[%dma_wait3A_572, %dma_wait3A_580, %dma_wait3A_581] : memref<2x128x128xf32, #tpu.memory_space<vmem>> -> memref<1x64x128xf32, #tpu.memory_space<vmem>>
      %dma_wait3A_583 = tpu.memref_squeeze %dma_wait3A_582 : memref<1x64x128xf32, #tpu.memory_space<vmem>> -> memref<64x128xf32, #tpu.memory_space<vmem>>
      %dma_wait3A_584 = arith.constant 0 : i32
      %dma_wait3A_585 = arith.constant 0 : i32
      %dma_wait3A_586 = tpu.memref_slice %arg4[%dma_wait3A_584, %dma_wait3A_585] : memref<1007616x128xf32, #tpu.memory_space<hbm>> -> memref<64x128xf32, #tpu.memory_space<hbm>>
      tpu.wait_dma2 semaphore(%arg13 : memref<!tpu.dma_semaphore, #tpu.memory_space<semaphore_mem>>) src(%dma_wait3A_586 : memref<64x128xf32, #tpu.memory_space<hbm>>) dst(%dma_wait3A_583 : memref<64x128xf32, #tpu.memory_space<vmem>>)
      %dma_wait3A_587 = arith.constant 0 : i32
      %dma_wait3A_588 = arith.constant 0 : i32
      %dma_wait3A_589 = arith.constant 0 : i32
      %dma_wait3A_590 = tpu.memref_slice %arg10[%dma_wait3A_587, %dma_wait3A_588, %dma_wait3A_589] : memref<2x128x128xf32, #tpu.memory_space<vmem>> -> memref<1x64x128xf32, #tpu.memory_space<vmem>>
      %dma_wait3A_591 = tpu.memref_squeeze %dma_wait3A_590 : memref<1x64x128xf32, #tpu.memory_space<vmem>> -> memref<64x128xf32, #tpu.memory_space<vmem>>
      %dma_wait3A_592 = arith.constant 0 : i32
      %dma_wait3A_593 = arith.constant 0 : i32
      %dma_wait3A_594 = tpu.memref_slice %arg4[%dma_wait3A_592, %dma_wait3A_593] : memref<1007616x128xf32, #tpu.memory_space<hbm>> -> memref<64x128xf32, #tpu.memory_space<hbm>>
      %dma_wait3A_595 = arith.constant 0 : i32
      %dma_wait3A_596 = arith.constant 0 : i32
      %dma_wait3A_597 = tpu.memref_slice %arg10[%dma_wait3A_587, %dma_wait3A_595, %dma_wait3A_596] : memref<2x128x128xf32, #tpu.memory_space<vmem>> -> memref<1x64x128xf32, #tpu.memory_space<vmem>>
      %dma_wait3A_598 = tpu.memref_squeeze %dma_wait3A_597 : memref<1x64x128xf32, #tpu.memory_space<vmem>> -> memref<64x128xf32, #tpu.memory_space<vmem>>
      %dma_wait3A_599 = arith.constant 0 : i32
      %dma_wait3A_600 = arith.constant 0 : i32
      %dma_wait3A_601 = tpu.memref_slice %arg4[%dma_wait3A_599, %dma_wait3A_600] : memref<1007616x128xf32, #tpu.memory_space<hbm>> -> memref<64x128xf32, #tpu.memory_space<hbm>>
      tpu.wait_dma2 semaphore(%arg13 : memref<!tpu.dma_semaphore, #tpu.memory_space<semaphore_mem>>) src(%dma_wait3A_601 : memref<64x128xf32, #tpu.memory_space<hbm>>) dst(%dma_wait3A_598 : memref<64x128xf32, #tpu.memory_space<vmem>>)
      %add3A_602 = arith.constant 2 : i32
      %add3A_603 = arith.addi %mul3A_458, %add3A_602 : i32
      %dma_start3A_604 = arith.constant 0 : i32
      %dma_start3A_605 = arith.constant 0 : i32
      %dma_start3A_606 = arith.constant 0 : i32
      %dma_start3A_607 = tpu.memref_slice %arg9[%dma_start3A_604, %dma_start3A_605, %dma_start3A_606] : memref<2x128x128xf32, #tpu.memory_space<vmem>> -> memref<1x128x128xf32, #tpu.memory_space<vmem>>
      %dma_start3A_608 = tpu.memref_squeeze %dma_start3A_607 : memref<1x128x128xf32, #tpu.memory_space<vmem>> -> memref<128x128xf32, #tpu.memory_space<vmem>>
      %dma_start3A_609 = arith.constant 0 : i32
      %dma_start3A_610 = tpu.memref_slice %arg7[%add3A_603, %dma_start3A_609] : memref<100x128xi32, #tpu.memory_space<vmem>> -> memref<1x128xi32, #tpu.memory_space<vmem>>
      %dma_start3A_611 = tpu.memref_squeeze %dma_start3A_610 : memref<1x128xi32, #tpu.memory_space<vmem>> -> memref<128xi32, #tpu.memory_space<vmem>>
      %dma_start3A_612 = arith.constant 0 : i32
      %dma_start3A_613 = arith.constant 0 : i32
      %dma_start3A_614 = tpu.memref_slice %arg4[%dma_start3A_612, %dma_start3A_613] : memref<1007616x128xf32, #tpu.memory_space<hbm>> -> memref<1007616x128xf32, #tpu.memory_space<hbm>>
      tpu.enqueue_indirect_dma source(%dma_start3A_614 : memref<1007616x128xf32, #tpu.memory_space<hbm>>) target(%dma_start3A_608 : memref<128x128xf32, #tpu.memory_space<vmem>>) offsets(%dma_start3A_611 : memref<128xi32, #tpu.memory_space<vmem>>) semaphore(%arg11 : memref<!tpu.dma_semaphore, #tpu.memory_space<semaphore_mem>>)
      %dma_start3A_615 = arith.constant 0 : i32
      %dma_start3A_616 = arith.constant 0 : i32
      %dma_start3A_617 = arith.constant 0 : i32
      %dma_start3A_618 = tpu.memref_slice %arg10[%dma_start3A_615, %dma_start3A_616, %dma_start3A_617] : memref<2x128x128xf32, #tpu.memory_space<vmem>> -> memref<1x128x128xf32, #tpu.memory_space<vmem>>
      %dma_start3A_619 = tpu.memref_squeeze %dma_start3A_618 : memref<1x128x128xf32, #tpu.memory_space<vmem>> -> memref<128x128xf32, #tpu.memory_space<vmem>>
      %dma_start3A_620 = arith.constant 0 : i32
      %dma_start3A_621 = tpu.memref_slice %arg8[%add3A_603, %dma_start3A_620] : memref<100x128xi32, #tpu.memory_space<vmem>> -> memref<1x128xi32, #tpu.memory_space<vmem>>
      %dma_start3A_622 = tpu.memref_squeeze %dma_start3A_621 : memref<1x128xi32, #tpu.memory_space<vmem>> -> memref<128xi32, #tpu.memory_space<vmem>>
      %dma_start3A_623 = arith.constant 0 : i32
      %dma_start3A_624 = arith.constant 0 : i32
      %dma_start3A_625 = tpu.memref_slice %arg5[%dma_start3A_623, %dma_start3A_624] : memref<106496x128xf32, #tpu.memory_space<hbm>> -> memref<106496x128xf32, #tpu.memory_space<hbm>>
      tpu.enqueue_indirect_dma source(%dma_start3A_625 : memref<106496x128xf32, #tpu.memory_space<hbm>>) target(%dma_start3A_619 : memref<128x128xf32, #tpu.memory_space<vmem>>) offsets(%dma_start3A_622 : memref<128xi32, #tpu.memory_space<vmem>>) semaphore(%arg11 : memref<!tpu.dma_semaphore, #tpu.memory_space<semaphore_mem>>)
      %dma_wait3A_626 = arith.constant 1 : i32
      %dma_wait3A_627 = arith.constant 0 : i32
      %dma_wait3A_628 = arith.constant 0 : i32
      %dma_wait3A_629 = tpu.memref_slice %arg9[%dma_wait3A_626, %dma_wait3A_627, %dma_wait3A_628] : memref<2x128x128xf32, #tpu.memory_space<vmem>> -> memref<1x128x128xf32, #tpu.memory_space<vmem>>
      %dma_wait3A_630 = tpu.memref_squeeze %dma_wait3A_629 : memref<1x128x128xf32, #tpu.memory_space<vmem>> -> memref<128x128xf32, #tpu.memory_space<vmem>>
      %dma_wait3A_631 = arith.constant 0 : i32
      %dma_wait3A_632 = arith.constant 0 : i32
      %dma_wait3A_633 = tpu.memref_slice %arg4[%dma_wait3A_631, %dma_wait3A_632] : memref<1007616x128xf32, #tpu.memory_space<hbm>> -> memref<128x128xf32, #tpu.memory_space<hbm>>
      %dma_wait3A_634 = arith.constant 0 : i32
      %dma_wait3A_635 = arith.constant 0 : i32
      %dma_wait3A_636 = tpu.memref_slice %arg9[%dma_wait3A_626, %dma_wait3A_634, %dma_wait3A_635] : memref<2x128x128xf32, #tpu.memory_space<vmem>> -> memref<1x128x128xf32, #tpu.memory_space<vmem>>
      %dma_wait3A_637 = tpu.memref_squeeze %dma_wait3A_636 : memref<1x128x128xf32, #tpu.memory_space<vmem>> -> memref<128x128xf32, #tpu.memory_space<vmem>>
      %dma_wait3A_638 = arith.constant 0 : i32
      %dma_wait3A_639 = arith.constant 0 : i32
      %dma_wait3A_640 = tpu.memref_slice %arg4[%dma_wait3A_638, %dma_wait3A_639] : memref<1007616x128xf32, #tpu.memory_space<hbm>> -> memref<128x128xf32, #tpu.memory_space<hbm>>
      tpu.wait_dma2 semaphore(%arg12 : memref<!tpu.dma_semaphore, #tpu.memory_space<semaphore_mem>>) src(%dma_wait3A_640 : memref<128x128xf32, #tpu.memory_space<hbm>>) dst(%dma_wait3A_637 : memref<128x128xf32, #tpu.memory_space<vmem>>)
      %dma_wait3A_641 = arith.constant 1 : i32
      %dma_wait3A_642 = arith.constant 0 : i32
      %dma_wait3A_643 = arith.constant 0 : i32
      %dma_wait3A_644 = tpu.memref_slice %arg10[%dma_wait3A_641, %dma_wait3A_642, %dma_wait3A_643] : memref<2x128x128xf32, #tpu.memory_space<vmem>> -> memref<1x128x128xf32, #tpu.memory_space<vmem>>
      %dma_wait3A_645 = tpu.memref_squeeze %dma_wait3A_644 : memref<1x128x128xf32, #tpu.memory_space<vmem>> -> memref<128x128xf32, #tpu.memory_space<vmem>>
      %dma_wait3A_646 = arith.constant 0 : i32
      %dma_wait3A_647 = arith.constant 0 : i32
      %dma_wait3A_648 = tpu.memref_slice %arg4[%dma_wait3A_646, %dma_wait3A_647] : memref<1007616x128xf32, #tpu.memory_space<hbm>> -> memref<128x128xf32, #tpu.memory_space<hbm>>
      %dma_wait3A_649 = arith.constant 0 : i32
      %dma_wait3A_650 = arith.constant 0 : i32
      %dma_wait3A_651 = tpu.memref_slice %arg10[%dma_wait3A_641, %dma_wait3A_649, %dma_wait3A_650] : memref<2x128x128xf32, #tpu.memory_space<vmem>> -> memref<1x128x128xf32, #tpu.memory_space<vmem>>
      %dma_wait3A_652 = tpu.memref_squeeze %dma_wait3A_651 : memref<1x128x128xf32, #tpu.memory_space<vmem>> -> memref<128x128xf32, #tpu.memory_space<vmem>>
      %dma_wait3A_653 = arith.constant 0 : i32
      %dma_wait3A_654 = arith.constant 0 : i32
      %dma_wait3A_655 = tpu.memref_slice %arg4[%dma_wait3A_653, %dma_wait3A_654] : memref<1007616x128xf32, #tpu.memory_space<hbm>> -> memref<128x128xf32, #tpu.memory_space<hbm>>
      tpu.wait_dma2 semaphore(%arg12 : memref<!tpu.dma_semaphore, #tpu.memory_space<semaphore_mem>>) src(%dma_wait3A_655 : memref<128x128xf32, #tpu.memory_space<hbm>>) dst(%dma_wait3A_652 : memref<128x128xf32, #tpu.memory_space<vmem>>)
      %mul3A_656 = arith.constant 128 : i32
      %mul3A_657 = arith.muli %add3A_460, %mul3A_656 : i32
      %add3A_658 = arith.addi %mul3A_2, %mul3A_657 : i32
      %dma_start3A_659 = arith.constant 1 : i32
      %dma_start3A_660 = arith.constant 0 : i32
      %dma_start3A_661 = arith.constant 0 : i32
      %dma_start3A_662 = tpu.memref_slice %arg9[%dma_start3A_659, %dma_start3A_660, %dma_start3A_661] : memref<2x128x128xf32, #tpu.memory_space<vmem>> -> memref<1x128x64xf32, #tpu.memory_space<vmem>>
      %dma_start3A_663 = tpu.memref_squeeze %dma_start3A_662 : memref<1x128x64xf32, #tpu.memory_space<vmem>> -> memref<128x64xf32, #tpu.memory_space<vmem>>
      %dma_start3A_664 = arith.constant 0 : i32
      %dma_start3A_665 = tpu.memref_slice %arg6[%add3A_658, %dma_start3A_664] : memref<409600x128xf32, #tpu.memory_space<hbm>> -> memref<128x64xf32, #tpu.memory_space<hbm>>
      %dma_start3A_666 = arith.constant 0 : i32
      %dma_start3A_667 = tpu.memref_slice %arg6[%add3A_658, %dma_start3A_666] : memref<409600x128xf32, #tpu.memory_space<hbm>> -> memref<128x64xf32, #tpu.memory_space<hbm>>
      %dma_start3A_668 = arith.constant 0 : i32
      %dma_start3A_669 = arith.constant 0 : i32
      %dma_start3A_670 = tpu.memref_slice %arg9[%dma_start3A_659, %dma_start3A_668, %dma_start3A_669] : memref<2x128x128xf32, #tpu.memory_space<vmem>> -> memref<1x128x64xf32, #tpu.memory_space<vmem>>
      %dma_start3A_671 = tpu.memref_squeeze %dma_start3A_670 : memref<1x128x64xf32, #tpu.memory_space<vmem>> -> memref<128x64xf32, #tpu.memory_space<vmem>>
      tpu.enqueue_dma source(%dma_start3A_671 : memref<128x64xf32, #tpu.memory_space<vmem>>) target(%dma_start3A_667 : memref<128x64xf32, #tpu.memory_space<hbm>>) target_semaphore(%arg14 : memref<!tpu.dma_semaphore, #tpu.memory_space<semaphore_mem>>)
      %dma_start3A_672 = arith.constant 1 : i32
      %dma_start3A_673 = arith.constant 0 : i32
      %dma_start3A_674 = arith.constant 0 : i32
      %dma_start3A_675 = tpu.memref_slice %arg10[%dma_start3A_672, %dma_start3A_673, %dma_start3A_674] : memref<2x128x128xf32, #tpu.memory_space<vmem>> -> memref<1x128x64xf32, #tpu.memory_space<vmem>>
      %dma_start3A_676 = tpu.memref_squeeze %dma_start3A_675 : memref<1x128x64xf32, #tpu.memory_space<vmem>> -> memref<128x64xf32, #tpu.memory_space<vmem>>
      %dma_start3A_677 = arith.constant 64 : i32
      %dma_start3A_678 = tpu.memref_slice %arg6[%add3A_658, %dma_start3A_677] : memref<409600x128xf32, #tpu.memory_space<hbm>> -> memref<128x64xf32, #tpu.memory_space<hbm>>
      %dma_start3A_679 = arith.constant 64 : i32
      %dma_start3A_680 = tpu.memref_slice %arg6[%add3A_658, %dma_start3A_679] : memref<409600x128xf32, #tpu.memory_space<hbm>> -> memref<128x64xf32, #tpu.memory_space<hbm>>
      %dma_start3A_681 = arith.constant 0 : i32
      %dma_start3A_682 = arith.constant 0 : i32
      %dma_start3A_683 = tpu.memref_slice %arg10[%dma_start3A_672, %dma_start3A_681, %dma_start3A_682] : memref<2x128x128xf32, #tpu.memory_space<vmem>> -> memref<1x128x64xf32, #tpu.memory_space<vmem>>
      %dma_start3A_684 = tpu.memref_squeeze %dma_start3A_683 : memref<1x128x64xf32, #tpu.memory_space<vmem>> -> memref<128x64xf32, #tpu.memory_space<vmem>>
      tpu.enqueue_dma source(%dma_start3A_684 : memref<128x64xf32, #tpu.memory_space<vmem>>) target(%dma_start3A_680 : memref<128x64xf32, #tpu.memory_space<hbm>>) target_semaphore(%arg14 : memref<!tpu.dma_semaphore, #tpu.memory_space<semaphore_mem>>)
    }
    %scan3A_225 = arith.constant 48 : i32
    %dma_wait3A_226 = arith.constant 1 : i32
    %dma_wait3A_227 = arith.constant 0 : i32
    %dma_wait3A_228 = arith.constant 0 : i32
    %dma_wait3A_229 = tpu.memref_slice %arg9[%dma_wait3A_226, %dma_wait3A_227, %dma_wait3A_228] : memref<2x128x128xf32, #tpu.memory_space<vmem>> -> memref<1x64x128xf32, #tpu.memory_space<vmem>>
    %dma_wait3A_230 = tpu.memref_squeeze %dma_wait3A_229 : memref<1x64x128xf32, #tpu.memory_space<vmem>> -> memref<64x128xf32, #tpu.memory_space<vmem>>
    %dma_wait3A_231 = arith.constant 0 : i32
    %dma_wait3A_232 = arith.constant 0 : i32
    %dma_wait3A_233 = tpu.memref_slice %arg4[%dma_wait3A_231, %dma_wait3A_232] : memref<1007616x128xf32, #tpu.memory_space<hbm>> -> memref<64x128xf32, #tpu.memory_space<hbm>>
    %dma_wait3A_234 = arith.constant 0 : i32
    %dma_wait3A_235 = arith.constant 0 : i32
    %dma_wait3A_236 = tpu.memref_slice %arg9[%dma_wait3A_226, %dma_wait3A_234, %dma_wait3A_235] : memref<2x128x128xf32, #tpu.memory_space<vmem>> -> memref<1x64x128xf32, #tpu.memory_space<vmem>>
    %dma_wait3A_237 = tpu.memref_squeeze %dma_wait3A_236 : memref<1x64x128xf32, #tpu.memory_space<vmem>> -> memref<64x128xf32, #tpu.memory_space<vmem>>
    %dma_wait3A_238 = arith.constant 0 : i32
    %dma_wait3A_239 = arith.constant 0 : i32
    %dma_wait3A_240 = tpu.memref_slice %arg4[%dma_wait3A_238, %dma_wait3A_239] : memref<1007616x128xf32, #tpu.memory_space<hbm>> -> memref<64x128xf32, #tpu.memory_space<hbm>>
    tpu.wait_dma2 semaphore(%arg14 : memref<!tpu.dma_semaphore, #tpu.memory_space<semaphore_mem>>) src(%dma_wait3A_240 : memref<64x128xf32, #tpu.memory_space<hbm>>) dst(%dma_wait3A_237 : memref<64x128xf32, #tpu.memory_space<vmem>>)
    %dma_wait3A_241 = arith.constant 1 : i32
    %dma_wait3A_242 = arith.constant 0 : i32
    %dma_wait3A_243 = arith.constant 0 : i32
    %dma_wait3A_244 = tpu.memref_slice %arg10[%dma_wait3A_241, %dma_wait3A_242, %dma_wait3A_243] : memref<2x128x128xf32, #tpu.memory_space<vmem>> -> memref<1x64x128xf32, #tpu.memory_space<vmem>>
    %dma_wait3A_245 = tpu.memref_squeeze %dma_wait3A_244 : memref<1x64x128xf32, #tpu.memory_space<vmem>> -> memref<64x128xf32, #tpu.memory_space<vmem>>
    %dma_wait3A_246 = arith.constant 0 : i32
    %dma_wait3A_247 = arith.constant 0 : i32
    %dma_wait3A_248 = tpu.memref_slice %arg4[%dma_wait3A_246, %dma_wait3A_247] : memref<1007616x128xf32, #tpu.memory_space<hbm>> -> memref<64x128xf32, #tpu.memory_space<hbm>>
    %dma_wait3A_249 = arith.constant 0 : i32
    %dma_wait3A_250 = arith.constant 0 : i32
    %dma_wait3A_251 = tpu.memref_slice %arg10[%dma_wait3A_241, %dma_wait3A_249, %dma_wait3A_250] : memref<2x128x128xf32, #tpu.memory_space<vmem>> -> memref<1x64x128xf32, #tpu.memory_space<vmem>>
    %dma_wait3A_252 = tpu.memref_squeeze %dma_wait3A_251 : memref<1x64x128xf32, #tpu.memory_space<vmem>> -> memref<64x128xf32, #tpu.memory_space<vmem>>
    %dma_wait3A_253 = arith.constant 0 : i32
    %dma_wait3A_254 = arith.constant 0 : i32
    %dma_wait3A_255 = tpu.memref_slice %arg4[%dma_wait3A_253, %dma_wait3A_254] : memref<1007616x128xf32, #tpu.memory_space<hbm>> -> memref<64x128xf32, #tpu.memory_space<hbm>>
    tpu.wait_dma2 semaphore(%arg14 : memref<!tpu.dma_semaphore, #tpu.memory_space<semaphore_mem>>) src(%dma_wait3A_255 : memref<64x128xf32, #tpu.memory_space<hbm>>) dst(%dma_wait3A_252 : memref<64x128xf32, #tpu.memory_space<vmem>>)
    %dma_start3A_256 = arith.constant 99 : i32
    %dma_start3A_257 = arith.constant 1 : i32
    %dma_start3A_258 = arith.constant 0 : i32
    %dma_start3A_259 = arith.constant 0 : i32
    %dma_start3A_260 = tpu.memref_slice %arg9[%dma_start3A_257, %dma_start3A_258, %dma_start3A_259] : memref<2x128x128xf32, #tpu.memory_space<vmem>> -> memref<1x128x128xf32, #tpu.memory_space<vmem>>
    %dma_start3A_261 = tpu.memref_squeeze %dma_start3A_260 : memref<1x128x128xf32, #tpu.memory_space<vmem>> -> memref<128x128xf32, #tpu.memory_space<vmem>>
    %dma_start3A_262 = arith.constant 0 : i32
    %dma_start3A_263 = tpu.memref_slice %arg7[%dma_start3A_256, %dma_start3A_262] : memref<100x128xi32, #tpu.memory_space<vmem>> -> memref<1x128xi32, #tpu.memory_space<vmem>>
    %dma_start3A_264 = tpu.memref_squeeze %dma_start3A_263 : memref<1x128xi32, #tpu.memory_space<vmem>> -> memref<128xi32, #tpu.memory_space<vmem>>
    %dma_start3A_265 = arith.constant 0 : i32
    %dma_start3A_266 = arith.constant 0 : i32
    %dma_start3A_267 = tpu.memref_slice %arg4[%dma_start3A_265, %dma_start3A_266] : memref<1007616x128xf32, #tpu.memory_space<hbm>> -> memref<1007616x128xf32, #tpu.memory_space<hbm>>
    tpu.enqueue_indirect_dma source(%dma_start3A_267 : memref<1007616x128xf32, #tpu.memory_space<hbm>>) target(%dma_start3A_261 : memref<128x128xf32, #tpu.memory_space<vmem>>) offsets(%dma_start3A_264 : memref<128xi32, #tpu.memory_space<vmem>>) semaphore(%arg12 : memref<!tpu.dma_semaphore, #tpu.memory_space<semaphore_mem>>)
    %dma_start3A_268 = arith.constant 99 : i32
    %dma_start3A_269 = arith.constant 1 : i32
    %dma_start3A_270 = arith.constant 0 : i32
    %dma_start3A_271 = arith.constant 0 : i32
    %dma_start3A_272 = tpu.memref_slice %arg10[%dma_start3A_269, %dma_start3A_270, %dma_start3A_271] : memref<2x128x128xf32, #tpu.memory_space<vmem>> -> memref<1x128x128xf32, #tpu.memory_space<vmem>>
    %dma_start3A_273 = tpu.memref_squeeze %dma_start3A_272 : memref<1x128x128xf32, #tpu.memory_space<vmem>> -> memref<128x128xf32, #tpu.memory_space<vmem>>
    %dma_start3A_274 = arith.constant 0 : i32
    %dma_start3A_275 = tpu.memref_slice %arg8[%dma_start3A_268, %dma_start3A_274] : memref<100x128xi32, #tpu.memory_space<vmem>> -> memref<1x128xi32, #tpu.memory_space<vmem>>
    %dma_start3A_276 = tpu.memref_squeeze %dma_start3A_275 : memref<1x128xi32, #tpu.memory_space<vmem>> -> memref<128xi32, #tpu.memory_space<vmem>>
    %dma_start3A_277 = arith.constant 0 : i32
    %dma_start3A_278 = arith.constant 0 : i32
    %dma_start3A_279 = tpu.memref_slice %arg5[%dma_start3A_277, %dma_start3A_278] : memref<106496x128xf32, #tpu.memory_space<hbm>> -> memref<106496x128xf32, #tpu.memory_space<hbm>>
    tpu.enqueue_indirect_dma source(%dma_start3A_279 : memref<106496x128xf32, #tpu.memory_space<hbm>>) target(%dma_start3A_273 : memref<128x128xf32, #tpu.memory_space<vmem>>) offsets(%dma_start3A_276 : memref<128xi32, #tpu.memory_space<vmem>>) semaphore(%arg12 : memref<!tpu.dma_semaphore, #tpu.memory_space<semaphore_mem>>)
    %dma_wait3A_280 = arith.constant 0 : i32
    %dma_wait3A_281 = arith.constant 0 : i32
    %dma_wait3A_282 = arith.constant 0 : i32
    %dma_wait3A_283 = tpu.memref_slice %arg9[%dma_wait3A_280, %dma_wait3A_281, %dma_wait3A_282] : memref<2x128x128xf32, #tpu.memory_space<vmem>> -> memref<1x128x128xf32, #tpu.memory_space<vmem>>
    %dma_wait3A_284 = tpu.memref_squeeze %dma_wait3A_283 : memref<1x128x128xf32, #tpu.memory_space<vmem>> -> memref<128x128xf32, #tpu.memory_space<vmem>>
    %dma_wait3A_285 = arith.constant 0 : i32
    %dma_wait3A_286 = arith.constant 0 : i32
    %dma_wait3A_287 = tpu.memref_slice %arg4[%dma_wait3A_285, %dma_wait3A_286] : memref<1007616x128xf32, #tpu.memory_space<hbm>> -> memref<128x128xf32, #tpu.memory_space<hbm>>
    %dma_wait3A_288 = arith.constant 0 : i32
    %dma_wait3A_289 = arith.constant 0 : i32
    %dma_wait3A_290 = tpu.memref_slice %arg9[%dma_wait3A_280, %dma_wait3A_288, %dma_wait3A_289] : memref<2x128x128xf32, #tpu.memory_space<vmem>> -> memref<1x128x128xf32, #tpu.memory_space<vmem>>
    %dma_wait3A_291 = tpu.memref_squeeze %dma_wait3A_290 : memref<1x128x128xf32, #tpu.memory_space<vmem>> -> memref<128x128xf32, #tpu.memory_space<vmem>>
    %dma_wait3A_292 = arith.constant 0 : i32
    %dma_wait3A_293 = arith.constant 0 : i32
    %dma_wait3A_294 = tpu.memref_slice %arg4[%dma_wait3A_292, %dma_wait3A_293] : memref<1007616x128xf32, #tpu.memory_space<hbm>> -> memref<128x128xf32, #tpu.memory_space<hbm>>
    tpu.wait_dma2 semaphore(%arg11 : memref<!tpu.dma_semaphore, #tpu.memory_space<semaphore_mem>>) src(%dma_wait3A_294 : memref<128x128xf32, #tpu.memory_space<hbm>>) dst(%dma_wait3A_291 : memref<128x128xf32, #tpu.memory_space<vmem>>)
    %dma_wait3A_295 = arith.constant 0 : i32
    %dma_wait3A_296 = arith.constant 0 : i32
    %dma_wait3A_297 = arith.constant 0 : i32
    %dma_wait3A_298 = tpu.memref_slice %arg10[%dma_wait3A_295, %dma_wait3A_296, %dma_wait3A_297] : memref<2x128x128xf32, #tpu.memory_space<vmem>> -> memref<1x128x128xf32, #tpu.memory_space<vmem>>
    %dma_wait3A_299 = tpu.memref_squeeze %dma_wait3A_298 : memref<1x128x128xf32, #tpu.memory_space<vmem>> -> memref<128x128xf32, #tpu.memory_space<vmem>>
    %dma_wait3A_300 = arith.constant 0 : i32
    %dma_wait3A_301 = arith.constant 0 : i32
    %dma_wait3A_302 = tpu.memref_slice %arg4[%dma_wait3A_300, %dma_wait3A_301] : memref<1007616x128xf32, #tpu.memory_space<hbm>> -> memref<128x128xf32, #tpu.memory_space<hbm>>
    %dma_wait3A_303 = arith.constant 0 : i32
    %dma_wait3A_304 = arith.constant 0 : i32
    %dma_wait3A_305 = tpu.memref_slice %arg10[%dma_wait3A_295, %dma_wait3A_303, %dma_wait3A_304] : memref<2x128x128xf32, #tpu.memory_space<vmem>> -> memref<1x128x128xf32, #tpu.memory_space<vmem>>
    %dma_wait3A_306 = tpu.memref_squeeze %dma_wait3A_305 : memref<1x128x128xf32, #tpu.memory_space<vmem>> -> memref<128x128xf32, #tpu.memory_space<vmem>>
    %dma_wait3A_307 = arith.constant 0 : i32
    %dma_wait3A_308 = arith.constant 0 : i32
    %dma_wait3A_309 = tpu.memref_slice %arg4[%dma_wait3A_307, %dma_wait3A_308] : memref<1007616x128xf32, #tpu.memory_space<hbm>> -> memref<128x128xf32, #tpu.memory_space<hbm>>
    tpu.wait_dma2 semaphore(%arg11 : memref<!tpu.dma_semaphore, #tpu.memory_space<semaphore_mem>>) src(%dma_wait3A_309 : memref<128x128xf32, #tpu.memory_space<hbm>>) dst(%dma_wait3A_306 : memref<128x128xf32, #tpu.memory_space<vmem>>)
    %add3A_310 = arith.constant 12544 : i32
    %add3A_311 = arith.addi %mul3A_2, %add3A_310 : i32
    %dma_start3A_312 = arith.constant 0 : i32
    %dma_start3A_313 = arith.constant 0 : i32
    %dma_start3A_314 = arith.constant 0 : i32
    %dma_start3A_315 = tpu.memref_slice %arg9[%dma_start3A_312, %dma_start3A_313, %dma_start3A_314] : memref<2x128x128xf32, #tpu.memory_space<vmem>> -> memref<1x128x64xf32, #tpu.memory_space<vmem>>
    %dma_start3A_316 = tpu.memref_squeeze %dma_start3A_315 : memref<1x128x64xf32, #tpu.memory_space<vmem>> -> memref<128x64xf32, #tpu.memory_space<vmem>>
    %dma_start3A_317 = arith.constant 0 : i32
    %dma_start3A_318 = tpu.memref_slice %arg6[%add3A_311, %dma_start3A_317] : memref<409600x128xf32, #tpu.memory_space<hbm>> -> memref<128x64xf32, #tpu.memory_space<hbm>>
    %dma_start3A_319 = arith.constant 0 : i32
    %dma_start3A_320 = tpu.memref_slice %arg6[%add3A_311, %dma_start3A_319] : memref<409600x128xf32, #tpu.memory_space<hbm>> -> memref<128x64xf32, #tpu.memory_space<hbm>>
    %dma_start3A_321 = arith.constant 0 : i32
    %dma_start3A_322 = arith.constant 0 : i32
    %dma_start3A_323 = tpu.memref_slice %arg9[%dma_start3A_312, %dma_start3A_321, %dma_start3A_322] : memref<2x128x128xf32, #tpu.memory_space<vmem>> -> memref<1x128x64xf32, #tpu.memory_space<vmem>>
    %dma_start3A_324 = tpu.memref_squeeze %dma_start3A_323 : memref<1x128x64xf32, #tpu.memory_space<vmem>> -> memref<128x64xf32, #tpu.memory_space<vmem>>
    tpu.enqueue_dma source(%dma_start3A_324 : memref<128x64xf32, #tpu.memory_space<vmem>>) target(%dma_start3A_320 : memref<128x64xf32, #tpu.memory_space<hbm>>) target_semaphore(%arg13 : memref<!tpu.dma_semaphore, #tpu.memory_space<semaphore_mem>>)
    %dma_start3A_325 = arith.constant 0 : i32
    %dma_start3A_326 = arith.constant 0 : i32
    %dma_start3A_327 = arith.constant 0 : i32
    %dma_start3A_328 = tpu.memref_slice %arg10[%dma_start3A_325, %dma_start3A_326, %dma_start3A_327] : memref<2x128x128xf32, #tpu.memory_space<vmem>> -> memref<1x128x64xf32, #tpu.memory_space<vmem>>
    %dma_start3A_329 = tpu.memref_squeeze %dma_start3A_328 : memref<1x128x64xf32, #tpu.memory_space<vmem>> -> memref<128x64xf32, #tpu.memory_space<vmem>>
    %dma_start3A_330 = arith.constant 64 : i32
    %dma_start3A_331 = tpu.memref_slice %arg6[%add3A_311, %dma_start3A_330] : memref<409600x128xf32, #tpu.memory_space<hbm>> -> memref<128x64xf32, #tpu.memory_space<hbm>>
    %dma_start3A_332 = arith.constant 64 : i32
    %dma_start3A_333 = tpu.memref_slice %arg6[%add3A_311, %dma_start3A_332] : memref<409600x128xf32, #tpu.memory_space<hbm>> -> memref<128x64xf32, #tpu.memory_space<hbm>>
    %dma_start3A_334 = arith.constant 0 : i32
    %dma_start3A_335 = arith.constant 0 : i32
    %dma_start3A_336 = tpu.memref_slice %arg10[%dma_start3A_325, %dma_start3A_334, %dma_start3A_335] : memref<2x128x128xf32, #tpu.memory_space<vmem>> -> memref<1x128x64xf32, #tpu.memory_space<vmem>>
    %dma_start3A_337 = tpu.memref_squeeze %dma_start3A_336 : memref<1x128x64xf32, #tpu.memory_space<vmem>> -> memref<128x64xf32, #tpu.memory_space<vmem>>
    tpu.enqueue_dma source(%dma_start3A_337 : memref<128x64xf32, #tpu.memory_space<vmem>>) target(%dma_start3A_333 : memref<128x64xf32, #tpu.memory_space<hbm>>) target_semaphore(%arg13 : memref<!tpu.dma_semaphore, #tpu.memory_space<semaphore_mem>>)
    %dma_wait3A_338 = arith.constant 1 : i32
    %dma_wait3A_339 = arith.constant 0 : i32
    %dma_wait3A_340 = arith.constant 0 : i32
    %dma_wait3A_341 = tpu.memref_slice %arg9[%dma_wait3A_338, %dma_wait3A_339, %dma_wait3A_340] : memref<2x128x128xf32, #tpu.memory_space<vmem>> -> memref<1x128x128xf32, #tpu.memory_space<vmem>>
    %dma_wait3A_342 = tpu.memref_squeeze %dma_wait3A_341 : memref<1x128x128xf32, #tpu.memory_space<vmem>> -> memref<128x128xf32, #tpu.memory_space<vmem>>
    %dma_wait3A_343 = arith.constant 0 : i32
    %dma_wait3A_344 = arith.constant 0 : i32
    %dma_wait3A_345 = tpu.memref_slice %arg4[%dma_wait3A_343, %dma_wait3A_344] : memref<1007616x128xf32, #tpu.memory_space<hbm>> -> memref<128x128xf32, #tpu.memory_space<hbm>>
    %dma_wait3A_346 = arith.constant 0 : i32
    %dma_wait3A_347 = arith.constant 0 : i32
    %dma_wait3A_348 = tpu.memref_slice %arg9[%dma_wait3A_338, %dma_wait3A_346, %dma_wait3A_347] : memref<2x128x128xf32, #tpu.memory_space<vmem>> -> memref<1x128x128xf32, #tpu.memory_space<vmem>>
    %dma_wait3A_349 = tpu.memref_squeeze %dma_wait3A_348 : memref<1x128x128xf32, #tpu.memory_space<vmem>> -> memref<128x128xf32, #tpu.memory_space<vmem>>
    %dma_wait3A_350 = arith.constant 0 : i32
    %dma_wait3A_351 = arith.constant 0 : i32
    %dma_wait3A_352 = tpu.memref_slice %arg4[%dma_wait3A_350, %dma_wait3A_351] : memref<1007616x128xf32, #tpu.memory_space<hbm>> -> memref<128x128xf32, #tpu.memory_space<hbm>>
    tpu.wait_dma2 semaphore(%arg12 : memref<!tpu.dma_semaphore, #tpu.memory_space<semaphore_mem>>) src(%dma_wait3A_352 : memref<128x128xf32, #tpu.memory_space<hbm>>) dst(%dma_wait3A_349 : memref<128x128xf32, #tpu.memory_space<vmem>>)
    %dma_wait3A_353 = arith.constant 1 : i32
    %dma_wait3A_354 = arith.constant 0 : i32
    %dma_wait3A_355 = arith.constant 0 : i32
    %dma_wait3A_356 = tpu.memref_slice %arg10[%dma_wait3A_353, %dma_wait3A_354, %dma_wait3A_355] : memref<2x128x128xf32, #tpu.memory_space<vmem>> -> memref<1x128x128xf32, #tpu.memory_space<vmem>>
    %dma_wait3A_357 = tpu.memref_squeeze %dma_wait3A_356 : memref<1x128x128xf32, #tpu.memory_space<vmem>> -> memref<128x128xf32, #tpu.memory_space<vmem>>
    %dma_wait3A_358 = arith.constant 0 : i32
    %dma_wait3A_359 = arith.constant 0 : i32
    %dma_wait3A_360 = tpu.memref_slice %arg4[%dma_wait3A_358, %dma_wait3A_359] : memref<1007616x128xf32, #tpu.memory_space<hbm>> -> memref<128x128xf32, #tpu.memory_space<hbm>>
    %dma_wait3A_361 = arith.constant 0 : i32
    %dma_wait3A_362 = arith.constant 0 : i32
    %dma_wait3A_363 = tpu.memref_slice %arg10[%dma_wait3A_353, %dma_wait3A_361, %dma_wait3A_362] : memref<2x128x128xf32, #tpu.memory_space<vmem>> -> memref<1x128x128xf32, #tpu.memory_space<vmem>>
    %dma_wait3A_364 = tpu.memref_squeeze %dma_wait3A_363 : memref<1x128x128xf32, #tpu.memory_space<vmem>> -> memref<128x128xf32, #tpu.memory_space<vmem>>
    %dma_wait3A_365 = arith.constant 0 : i32
    %dma_wait3A_366 = arith.constant 0 : i32
    %dma_wait3A_367 = tpu.memref_slice %arg4[%dma_wait3A_365, %dma_wait3A_366] : memref<1007616x128xf32, #tpu.memory_space<hbm>> -> memref<128x128xf32, #tpu.memory_space<hbm>>
    tpu.wait_dma2 semaphore(%arg12 : memref<!tpu.dma_semaphore, #tpu.memory_space<semaphore_mem>>) src(%dma_wait3A_367 : memref<128x128xf32, #tpu.memory_space<hbm>>) dst(%dma_wait3A_364 : memref<128x128xf32, #tpu.memory_space<vmem>>)
    %add3A_368 = arith.constant 12672 : i32
    %add3A_369 = arith.addi %mul3A_2, %add3A_368 : i32
    %dma_start3A_370 = arith.constant 1 : i32
    %dma_start3A_371 = arith.constant 0 : i32
    %dma_start3A_372 = arith.constant 0 : i32
    %dma_start3A_373 = tpu.memref_slice %arg9[%dma_start3A_370, %dma_start3A_371, %dma_start3A_372] : memref<2x128x128xf32, #tpu.memory_space<vmem>> -> memref<1x128x64xf32, #tpu.memory_space<vmem>>
    %dma_start3A_374 = tpu.memref_squeeze %dma_start3A_373 : memref<1x128x64xf32, #tpu.memory_space<vmem>> -> memref<128x64xf32, #tpu.memory_space<vmem>>
    %dma_start3A_375 = arith.constant 0 : i32
    %dma_start3A_376 = tpu.memref_slice %arg6[%add3A_369, %dma_start3A_375] : memref<409600x128xf32, #tpu.memory_space<hbm>> -> memref<128x64xf32, #tpu.memory_space<hbm>>
    %dma_start3A_377 = arith.constant 0 : i32
    %dma_start3A_378 = tpu.memref_slice %arg6[%add3A_369, %dma_start3A_377] : memref<409600x128xf32, #tpu.memory_space<hbm>> -> memref<128x64xf32, #tpu.memory_space<hbm>>
    %dma_start3A_379 = arith.constant 0 : i32
    %dma_start3A_380 = arith.constant 0 : i32
    %dma_start3A_381 = tpu.memref_slice %arg9[%dma_start3A_370, %dma_start3A_379, %dma_start3A_380] : memref<2x128x128xf32, #tpu.memory_space<vmem>> -> memref<1x128x64xf32, #tpu.memory_space<vmem>>
    %dma_start3A_382 = tpu.memref_squeeze %dma_start3A_381 : memref<1x128x64xf32, #tpu.memory_space<vmem>> -> memref<128x64xf32, #tpu.memory_space<vmem>>
    tpu.enqueue_dma source(%dma_start3A_382 : memref<128x64xf32, #tpu.memory_space<vmem>>) target(%dma_start3A_378 : memref<128x64xf32, #tpu.memory_space<hbm>>) target_semaphore(%arg14 : memref<!tpu.dma_semaphore, #tpu.memory_space<semaphore_mem>>)
    %dma_start3A_383 = arith.constant 1 : i32
    %dma_start3A_384 = arith.constant 0 : i32
    %dma_start3A_385 = arith.constant 0 : i32
    %dma_start3A_386 = tpu.memref_slice %arg10[%dma_start3A_383, %dma_start3A_384, %dma_start3A_385] : memref<2x128x128xf32, #tpu.memory_space<vmem>> -> memref<1x128x64xf32, #tpu.memory_space<vmem>>
    %dma_start3A_387 = tpu.memref_squeeze %dma_start3A_386 : memref<1x128x64xf32, #tpu.memory_space<vmem>> -> memref<128x64xf32, #tpu.memory_space<vmem>>
    %dma_start3A_388 = arith.constant 64 : i32
    %dma_start3A_389 = tpu.memref_slice %arg6[%add3A_369, %dma_start3A_388] : memref<409600x128xf32, #tpu.memory_space<hbm>> -> memref<128x64xf32, #tpu.memory_space<hbm>>
    %dma_start3A_390 = arith.constant 64 : i32
    %dma_start3A_391 = tpu.memref_slice %arg6[%add3A_369, %dma_start3A_390] : memref<409600x128xf32, #tpu.memory_space<hbm>> -> memref<128x64xf32, #tpu.memory_space<hbm>>
    %dma_start3A_392 = arith.constant 0 : i32
    %dma_start3A_393 = arith.constant 0 : i32
    %dma_start3A_394 = tpu.memref_slice %arg10[%dma_start3A_383, %dma_start3A_392, %dma_start3A_393] : memref<2x128x128xf32, #tpu.memory_space<vmem>> -> memref<1x128x64xf32, #tpu.memory_space<vmem>>
    %dma_start3A_395 = tpu.memref_squeeze %dma_start3A_394 : memref<1x128x64xf32, #tpu.memory_space<vmem>> -> memref<128x64xf32, #tpu.memory_space<vmem>>
    tpu.enqueue_dma source(%dma_start3A_395 : memref<128x64xf32, #tpu.memory_space<vmem>>) target(%dma_start3A_391 : memref<128x64xf32, #tpu.memory_space<hbm>>) target_semaphore(%arg14 : memref<!tpu.dma_semaphore, #tpu.memory_space<semaphore_mem>>)
    %dma_wait3A_396 = arith.constant 0 : i32
    %dma_wait3A_397 = arith.constant 0 : i32
    %dma_wait3A_398 = arith.constant 0 : i32
    %dma_wait3A_399 = tpu.memref_slice %arg9[%dma_wait3A_396, %dma_wait3A_397, %dma_wait3A_398] : memref<2x128x128xf32, #tpu.memory_space<vmem>> -> memref<1x64x128xf32, #tpu.memory_space<vmem>>
    %dma_wait3A_400 = tpu.memref_squeeze %dma_wait3A_399 : memref<1x64x128xf32, #tpu.memory_space<vmem>> -> memref<64x128xf32, #tpu.memory_space<vmem>>
    %dma_wait3A_401 = arith.constant 0 : i32
    %dma_wait3A_402 = arith.constant 0 : i32
    %dma_wait3A_403 = tpu.memref_slice %arg4[%dma_wait3A_401, %dma_wait3A_402] : memref<1007616x128xf32, #tpu.memory_space<hbm>> -> memref<64x128xf32, #tpu.memory_space<hbm>>
    %dma_wait3A_404 = arith.constant 0 : i32
    %dma_wait3A_405 = arith.constant 0 : i32
    %dma_wait3A_406 = tpu.memref_slice %arg9[%dma_wait3A_396, %dma_wait3A_404, %dma_wait3A_405] : memref<2x128x128xf32, #tpu.memory_space<vmem>> -> memref<1x64x128xf32, #tpu.memory_space<vmem>>
    %dma_wait3A_407 = tpu.memref_squeeze %dma_wait3A_406 : memref<1x64x128xf32, #tpu.memory_space<vmem>> -> memref<64x128xf32, #tpu.memory_space<vmem>>
    %dma_wait3A_408 = arith.constant 0 : i32
    %dma_wait3A_409 = arith.constant 0 : i32
    %dma_wait3A_410 = tpu.memref_slice %arg4[%dma_wait3A_408, %dma_wait3A_409] : memref<1007616x128xf32, #tpu.memory_space<hbm>> -> memref<64x128xf32, #tpu.memory_space<hbm>>
    tpu.wait_dma2 semaphore(%arg13 : memref<!tpu.dma_semaphore, #tpu.memory_space<semaphore_mem>>) src(%dma_wait3A_410 : memref<64x128xf32, #tpu.memory_space<hbm>>) dst(%dma_wait3A_407 : memref<64x128xf32, #tpu.memory_space<vmem>>)
    %dma_wait3A_411 = arith.constant 0 : i32
    %dma_wait3A_412 = arith.constant 0 : i32
    %dma_wait3A_413 = arith.constant 0 : i32
    %dma_wait3A_414 = tpu.memref_slice %arg10[%dma_wait3A_411, %dma_wait3A_412, %dma_wait3A_413] : memref<2x128x128xf32, #tpu.memory_space<vmem>> -> memref<1x64x128xf32, #tpu.memory_space<vmem>>
    %dma_wait3A_415 = tpu.memref_squeeze %dma_wait3A_414 : memref<1x64x128xf32, #tpu.memory_space<vmem>> -> memref<64x128xf32, #tpu.memory_space<vmem>>
    %dma_wait3A_416 = arith.constant 0 : i32
    %dma_wait3A_417 = arith.constant 0 : i32
    %dma_wait3A_418 = tpu.memref_slice %arg4[%dma_wait3A_416, %dma_wait3A_417] : memref<1007616x128xf32, #tpu.memory_space<hbm>> -> memref<64x128xf32, #tpu.memory_space<hbm>>
    %dma_wait3A_419 = arith.constant 0 : i32
    %dma_wait3A_420 = arith.constant 0 : i32
    %dma_wait3A_421 = tpu.memref_slice %arg10[%dma_wait3A_411, %dma_wait3A_419, %dma_wait3A_420] : memref<2x128x128xf32, #tpu.memory_space<vmem>> -> memref<1x64x128xf32, #tpu.memory_space<vmem>>
    %dma_wait3A_422 = tpu.memref_squeeze %dma_wait3A_421 : memref<1x64x128xf32, #tpu.memory_space<vmem>> -> memref<64x128xf32, #tpu.memory_space<vmem>>
    %dma_wait3A_423 = arith.constant 0 : i32
    %dma_wait3A_424 = arith.constant 0 : i32
    %dma_wait3A_425 = tpu.memref_slice %arg4[%dma_wait3A_423, %dma_wait3A_424] : memref<1007616x128xf32, #tpu.memory_space<hbm>> -> memref<64x128xf32, #tpu.memory_space<hbm>>
    tpu.wait_dma2 semaphore(%arg13 : memref<!tpu.dma_semaphore, #tpu.memory_space<semaphore_mem>>) src(%dma_wait3A_425 : memref<64x128xf32, #tpu.memory_space<hbm>>) dst(%dma_wait3A_422 : memref<64x128xf32, #tpu.memory_space<vmem>>)
    %dma_wait3A_426 = arith.constant 1 : i32
    %dma_wait3A_427 = arith.constant 0 : i32
    %dma_wait3A_428 = arith.constant 0 : i32
    %dma_wait3A_429 = tpu.memref_slice %arg9[%dma_wait3A_426, %dma_wait3A_427, %dma_wait3A_428] : memref<2x128x128xf32, #tpu.memory_space<vmem>> -> memref<1x64x128xf32, #tpu.memory_space<vmem>>
    %dma_wait3A_430 = tpu.memref_squeeze %dma_wait3A_429 : memref<1x64x128xf32, #tpu.memory_space<vmem>> -> memref<64x128xf32, #tpu.memory_space<vmem>>
    %dma_wait3A_431 = arith.constant 0 : i32
    %dma_wait3A_432 = arith.constant 0 : i32
    %dma_wait3A_433 = tpu.memref_slice %arg4[%dma_wait3A_431, %dma_wait3A_432] : memref<1007616x128xf32, #tpu.memory_space<hbm>> -> memref<64x128xf32, #tpu.memory_space<hbm>>
    %dma_wait3A_434 = arith.constant 0 : i32
    %dma_wait3A_435 = arith.constant 0 : i32
    %dma_wait3A_436 = tpu.memref_slice %arg9[%dma_wait3A_426, %dma_wait3A_434, %dma_wait3A_435] : memref<2x128x128xf32, #tpu.memory_space<vmem>> -> memref<1x64x128xf32, #tpu.memory_space<vmem>>
    %dma_wait3A_437 = tpu.memref_squeeze %dma_wait3A_436 : memref<1x64x128xf32, #tpu.memory_space<vmem>> -> memref<64x128xf32, #tpu.memory_space<vmem>>
    %dma_wait3A_438 = arith.constant 0 : i32
    %dma_wait3A_439 = arith.constant 0 : i32
    %dma_wait3A_440 = tpu.memref_slice %arg4[%dma_wait3A_438, %dma_wait3A_439] : memref<1007616x128xf32, #tpu.memory_space<hbm>> -> memref<64x128xf32, #tpu.memory_space<hbm>>
    tpu.wait_dma2 semaphore(%arg14 : memref<!tpu.dma_semaphore, #tpu.memory_space<semaphore_mem>>) src(%dma_wait3A_440 : memref<64x128xf32, #tpu.memory_space<hbm>>) dst(%dma_wait3A_437 : memref<64x128xf32, #tpu.memory_space<vmem>>)
    %dma_wait3A_441 = arith.constant 1 : i32
    %dma_wait3A_442 = arith.constant 0 : i32
    %dma_wait3A_443 = arith.constant 0 : i32
    %dma_wait3A_444 = tpu.memref_slice %arg10[%dma_wait3A_441, %dma_wait3A_442, %dma_wait3A_443] : memref<2x128x128xf32, #tpu.memory_space<vmem>> -> memref<1x64x128xf32, #tpu.memory_space<vmem>>
    %dma_wait3A_445 = tpu.memref_squeeze %dma_wait3A_444 : memref<1x64x128xf32, #tpu.memory_space<vmem>> -> memref<64x128xf32, #tpu.memory_space<vmem>>
    %dma_wait3A_446 = arith.constant 0 : i32
    %dma_wait3A_447 = arith.constant 0 : i32
    %dma_wait3A_448 = tpu.memref_slice %arg4[%dma_wait3A_446, %dma_wait3A_447] : memref<1007616x128xf32, #tpu.memory_space<hbm>> -> memref<64x128xf32, #tpu.memory_space<hbm>>
    %dma_wait3A_449 = arith.constant 0 : i32
    %dma_wait3A_450 = arith.constant 0 : i32
    %dma_wait3A_451 = tpu.memref_slice %arg10[%dma_wait3A_441, %dma_wait3A_449, %dma_wait3A_450] : memref<2x128x128xf32, #tpu.memory_space<vmem>> -> memref<1x64x128xf32, #tpu.memory_space<vmem>>
    %dma_wait3A_452 = tpu.memref_squeeze %dma_wait3A_451 : memref<1x64x128xf32, #tpu.memory_space<vmem>> -> memref<64x128xf32, #tpu.memory_space<vmem>>
    %dma_wait3A_453 = arith.constant 0 : i32
    %dma_wait3A_454 = arith.constant 0 : i32
    %dma_wait3A_455 = tpu.memref_slice %arg4[%dma_wait3A_453, %dma_wait3A_454] : memref<1007616x128xf32, #tpu.memory_space<hbm>> -> memref<64x128xf32, #tpu.memory_space<hbm>>
    tpu.wait_dma2 semaphore(%arg14 : memref<!tpu.dma_semaphore, #tpu.memory_space<semaphore_mem>>) src(%dma_wait3A_455 : memref<64x128xf32, #tpu.memory_space<hbm>>) dst(%dma_wait3A_452 : memref<64x128xf32, #tpu.memory_space<vmem>>)
    return
  }
}

module attributes {stable_mosaic.version = 14 : i64} {
  func.func @transpose_kernel(%arg0: i32, %arg1: memref<64x8192xf32, #tpu.memory_space<vmem>>, %arg2: memref<8192x128xf32, #tpu.memory_space<vmem>>) attributes {dimension_semantics = [#tpu.dimension_semantics<arbitrary>], iteration_bounds = array<i64: 13>, scalar_prefetch = 0 : i64, scratch_operands = 0 : i64, tpu.core_type = #tpu.core_type<tc>, window_params = [{transform_indices = @transform_0, window_bounds = array<i64: 64, 8192>}, {transform_indices = @transform_1, window_bounds = array<i64: 8192, 128>}]} {
    %iota3A = tpu.iota {dimensions = array<i32: 0>} : vector<64x64xi32>
    %iota3A_0 = tpu.iota {dimensions = array<i32: 1>} : vector<64x64xi32>
    %eq3A = arith.cmpi eq, %iota3A, %iota3A_0 : vector<64x64xi32>
    %jit3A = arith.constant 1.000000e+00 : f32
    %jit3A_1 = arith.constant 0.000000e+00 : f32
    %broadcast_in_dim3A = vector.broadcast %jit3A : f32 to vector<64x64xf32>
    %broadcast_in_dim3A_2 = vector.broadcast %jit3A_1 : f32 to vector<64x64xf32>
    %select_n3A = arith.select %eq3A, %broadcast_in_dim3A, %broadcast_in_dim3A_2 : vector<64x64xi1>, vector<64x64xf32>
    %get3A = arith.constant 0 : index
    %get3A_3 = arith.constant 0 : index
    %get3A_4 = vector.load %arg1[%get3A, %get3A_3] : memref<64x8192xf32, #tpu.memory_space<vmem>>, vector<64x8192xf32>
    %dot_general3A = arith.constant dense<0.000000e+00> : vector<8192x64xf32>
    %dot_general3A_5 = tpu.matmul %get3A_4, %select_n3A, %dot_general3A {dimension_numbers = #tpu.dot_dimension_numbers<[0], [0], [1], [1], [0, 1, 1, 1], [], []>, precision = #tpu.contract_precision<fp32>, transpose_lhs_hint = false} : vector<64x8192xf32>, vector<64x64xf32>, vector<8192x64xf32> -> vector<8192x64xf32>
    %swap3A = arith.constant 0 : index
    %swap3A_6 = arith.constant 0 : index
    %swap3A_7 = vector.load %arg2[%swap3A, %swap3A_6] : memref<8192x128xf32, #tpu.memory_space<vmem>>, vector<8192x64xf32>
    tpu.vector_store %arg2[%swap3A, %swap3A_6], %dot_general3A_5 {strides = array<i32>} : memref<8192x128xf32, #tpu.memory_space<vmem>>, vector<8192x64xf32>,
    return
  }
  func.func @transform_0(%arg0: i32) -> (i32, i32) {
    %c0_i32 = arith.constant 0 : i32
    %c0_i32_0 = arith.constant 0 : i32
    return %c0_i32, %arg0 : i32, i32
  }
  func.func @transform_1(%arg0: i32) -> (i32, i32) {
    %c0_i32 = arith.constant 0 : i32
    %c0_i32_0 = arith.constant 0 : i32
    return %arg0, %c0_i32 : i32, i32
  }
}

module attributes {stable_mosaic.version = 14 : i64} {
  func.func @transpose_kernel(%arg0: i32, %arg1: memref<64x8192xf32, #tpu.memory_space<vmem>>, %arg2: memref<8192x128xf32, #tpu.memory_space<vmem>>) attributes {dimension_semantics = [#tpu.dimension_semantics<arbitrary>], iteration_bounds = array<i64: 123>, scalar_prefetch = 0 : i64, scratch_operands = 0 : i64, tpu.core_type = #tpu.core_type<tc>, window_params = [{transform_indices = @transform_0, window_bounds = array<i64: 64, 8192>}, {transform_indices = @transform_1, window_bounds = array<i64: 8192, 128>}]} {
    %iota3A = tpu.iota {dimensions = array<i32: 0>} : vector<64x64xi32>
    %iota3A_0 = tpu.iota {dimensions = array<i32: 1>} : vector<64x64xi32>
    %eq3A = arith.cmpi eq, %iota3A, %iota3A_0 : vector<64x64xi32>
    %jit3A = arith.constant 1.000000e+00 : f32
    %jit3A_1 = arith.constant 0.000000e+00 : f32
    %broadcast_in_dim3A = vector.broadcast %jit3A : f32 to vector<64x64xf32>
    %broadcast_in_dim3A_2 = vector.broadcast %jit3A_1 : f32 to vector<64x64xf32>
    %select_n3A = arith.select %eq3A, %broadcast_in_dim3A, %broadcast_in_dim3A_2 : vector<64x64xi1>, vector<64x64xf32>
    %get3A = arith.constant 0 : index
    %get3A_3 = arith.constant 0 : index
    %get3A_4 = vector.load %arg1[%get3A, %get3A_3] : memref<64x8192xf32, #tpu.memory_space<vmem>>, vector<64x8192xf32>
    %dot_general3A = arith.constant dense<0.000000e+00> : vector<8192x64xf32>
    %dot_general3A_5 = tpu.matmul %get3A_4, %select_n3A, %dot_general3A {dimension_numbers = #tpu.dot_dimension_numbers<[0], [0], [1], [1], [0, 1, 1, 1], [], []>, precision = #tpu.contract_precision<fp32>, transpose_lhs_hint = false} : vector<64x8192xf32>, vector<64x64xf32>, vector<8192x64xf32> -> vector<8192x64xf32>
    %swap3A = arith.constant 0 : index
    %swap3A_6 = arith.constant 0 : index
    %swap3A_7 = vector.load %arg2[%swap3A, %swap3A_6] : memref<8192x128xf32, #tpu.memory_space<vmem>>, vector<8192x64xf32>
    tpu.vector_store %arg2[%swap3A, %swap3A_6], %dot_general3A_5 {strides = array<i32>} : memref<8192x128xf32, #tpu.memory_space<vmem>>, vector<8192x64xf32>,
    return
  }
  func.func @transform_0(%arg0: i32) -> (i32, i32) {
    %c0_i32 = arith.constant 0 : i32
    %c0_i32_0 = arith.constant 0 : i32
    return %c0_i32, %arg0 : i32, i32
  }
  func.func @transform_1(%arg0: i32) -> (i32, i32) {
    %c0_i32 = arith.constant 0 : i32
    %c0_i32_0 = arith.constant 0 : i32
    return %arg0, %c0_i32 : i32, i32
  }
}

</mosaic_0001>

<sc_bundles>
// kernel: kernel.5.cloned.1.call-start
scs
__scs_entry_jumppad:
0x0: {  	(pc) =	sbr.rel $0x88, $3  }
0x1: {  	(tag) =	ssettag $0x0;
	lr =	simm.s32 $0x1  }
0x2: {  	[smem:$0x3F9B] =	sst lr;
	_ =	strace $0xD0000000  }
0x3: {  	_ = 	snop  }
0x4: {  	_ = 	snop  }
0x5: {  	_ = 	snop  }
0x6: {  	_ = 	snop  }
0x7: {  	_ = 	snop  }
__scs_overlays_trampoline_lowered:
0x8: {  	[smem:$0x3FAA] =	sst s0  }
0x9: {  	[smem:$0x3FAB] =	sst s1  }
0xa: {  	[smem:$0x3FAC] =	sst s2  }
0xb: {  	[smem:$0x3FAD] =	sst s3  }
0xc: {  	[smem:$0x3FAE] =	sst s4  }
0xd: {  	[smem:$0x3FAF] =	sst s5  }
0xe: {  	[smem:$0x3FB0] =	sst s6  }
0xf: {  	[smem:$0x3FB1] =	sst s7  }
0x10: {  	[smem:$0x3FB2] =	sst s8  }
0x11: {  	[smem:$0x3FB3] =	sst s9;
	s0 =	simm.s32 @!p0 $0x0  }
0x12: {  	s1 =	sld [smem:$0x3F99];
	s0 =	simm.s32 @p0 $0x1  }
0x13: {  	[smem:$0x3FB4] =	sst s0;
	s0 =	simm.s32 @!p1 $0x0  }
0x14: {  	s2 =	sld [smem:$0x3F98];
	s0 =	simm.s32 @p1 $0x1  }
0x15: {  	[smem:$0x3FB5] =	sst s0;
	s0 =	simm.s32 @!p2 $0x0  }
0x16: {  	s3 =	sld [smem:$0x3FDB];
	s0 =	simm.s32 @p2 $0x1  }
0x17: {  	s4 =	simm.s32 $0x1BF5;
	[smem:$0x3FB7] =	sst s0  }
0x18: {  	s0 =	sld [smem:$0x3F9A];
	_ =	swait.ge [sflag:s4], $0x0  }
0x19: {  	s7 =	sld [smem:$0x3F9B]  }
0x1a: {  	s8 =	sadd.s32 $0xFFFFE003, lr  }
0x1b: {  	s9 =	sadd.s32 $0xFFFFFEF7, lr;
	s5 =	simm.s32 $0xFFFFFFFF;
	p2 =	slt.u32 s8, $0xFFFFF086  }
0x1c: {  	p1 =	slt.u32 s9, $0xF7A;
	s5 =	simm.s32 @!p2 $0x0  }
0x1d: {  	s5 =	simm.s32 @p1 $0x1;
	p0 =	seq.s32 s7, s2  }
0x1e: {  	s7 =	smul.u32 @!p0 $0xF7A, s2;
	p2 =	seq.s32 @!p0 s5, $0x0  }
0x1f: {  	s9 =	smul.u32 $0xF7A, s1;
	s8 =	simm.s32 @!p0 $0x1BF5;
	p2 =	por !p2, p0  }
0x20: {  	[sflag:s8] =	ssyncset.s32 @!p0 $0xFFFFF086;
	s6 =	sadd.s32 @!p0 s3, s7;
	s7 =	simm.s32 @!p0 $0x108  }
0x21: {  	s3 =	sadd.s32 s3, s9;
	s6 =	sadd.s32 @!p0 $0x88, s6;
	s7 =	simm.s32 @p2 $0x1082  }
0x22: {  	[simem:s7], [sflag:s8] =	dma.local @!p0 [hbm:s6], $0xF7A  }
0x23: {  	s9 =	sor.u32 $0xD0000000, s2;
	s6 =	simm.s32 $0x108;
	_ =	swait.ge @!p0 [sflag:s8], $0x0  }
0x24: {  	s3 =	sadd.s32 $0x88, s3;
	s6 =	simm.s32 @!p1 $0x1082;
	[sflag:s4] =	ssyncset.s32 $0xFFFFF086  }
0x25: {  	[simem:s6], [sflag:s4] =	dma.local [hbm:s3], $0xF7A  }
0x26: {  	[smem:$0x3F9B] =	sst s1;
	(tag) =	ssettag s2;
	_ =	strace s9  }
0x27: {  	s1 =	sld [smem:$0x3FAB]  }
0x28: {  	s2 =	sld [smem:$0x3FAC]  }
0x29: {  	s4 =	sld [smem:$0x3FAE]  }
0x2a: {  	p0 =	seq.s32 s5, $0x0;
	s5 =	sld [smem:$0x3FAF]  }
0x2b: {  	s6 =	sld [smem:$0x3FB0]  }
0x2c: {  	s7 =	sld [smem:$0x3FB1]  }
0x2d: {  	s3 =	simm.s32 $0x108;
	s8 =	sld [smem:$0x3FB2]  }
0x2e: {  	s3 =	simm.s32 @!p0 $0x1082;
	s9 =	sld [smem:$0x3FB3]  }
0x2f: {  	lr =	sadd.s32 s0, s3;
	s0 =	sld [smem:$0x3FAA]  }
0x30: {  	s3 =	sld [smem:$0x3FAD]  }
0x31: {  	[smem:$0x3FB6] =	sst s10  }
0x32: {  	s10 =	sld [smem:$0x3FB4];
	_ =	sdelay $0x3  }
0x33: {  	p0 =	seq.s32 s10, $0x1;
	s10 =	sld [smem:$0x3FB6];
	_ =	sdelay $0x3  }
0x34: {  	[smem:$0x3FB6] =	sst s10  }
0x35: {  	s10 =	sld [smem:$0x3FB5];
	_ =	sdelay $0x3  }
0x36: {  	p1 =	seq.s32 s10, $0x1;
	s10 =	sld [smem:$0x3FB6];
	_ =	sdelay $0x3  }
0x37: {  	[smem:$0x3FB6] =	sst s10  }
0x38: {  	s10 =	sld [smem:$0x3FB7]  }
0x39: {  	_ = 	snop;
	(pc) =	sbr.ind lr, $3  }
0x3a: {  	_ = 	snop  }
0x3b: {  	_ = 	snop  }
0x3c: {  	p2 =	seq.s32 s10, $0x1;
	s10 =	sld [smem:$0x3FB6]  }
0x3d: {  	_ =	shalt  }
0x3e: {  	_ =	shalt  }
0x3f: {  	_ =	shalt  }
0x40: {  	_ =	shalt  }
0x41: {  	_ =	shalt  }
0x42: {  	_ =	shalt  }
0x43: {  	_ =	shalt  }
0x44: {  	_ =	shalt  }
0x45: {  	_ =	shalt  }
0x46: {  	_ =	shalt  }
0x47: {  	_ =	shalt  }
0x48: {  	_ =	shalt  }
0x49: {  	_ =	shalt  }
0x4a: {  	_ =	shalt  }
0x4b: {  	_ =	shalt  }
0x4c: {  	_ =	shalt  }
0x4d: {  	_ =	shalt  }
0x4e: {  	_ =	shalt  }
0x4f: {  	_ =	shalt  }
0x50: {  	_ =	shalt  }
0x51: {  	_ =	shalt  }
0x52: {  	_ =	shalt  }
0x53: {  	_ =	shalt  }
0x54: {  	_ =	shalt  }
0x55: {  	_ =	shalt  }
0x56: {  	_ =	shalt  }
0x57: {  	_ =	shalt  }
0x58: {  	_ =	shalt  }
0x59: {  	_ =	shalt  }
0x5a: {  	_ =	shalt  }
0x5b: {  	_ =	shalt  }
0x5c: {  	_ =	shalt  }
0x5d: {  	_ =	shalt  }
0x5e: {  	_ =	shalt  }
0x5f: {  	_ =	shalt  }
0x60: {  	_ =	shalt  }
0x61: {  	_ =	shalt  }
0x62: {  	_ =	shalt  }
0x63: {  	_ =	shalt  }
0x64: {  	_ =	shalt  }
0x65: {  	_ =	shalt  }
0x66: {  	_ =	shalt  }
0x67: {  	_ =	shalt  }
0x68: {  	_ =	shalt  }
0x69: {  	_ =	shalt  }
0x6a: {  	_ =	shalt  }
0x6b: {  	_ =	shalt  }
0x6c: {  	_ =	shalt  }
0x6d: {  	_ =	shalt  }
0x6e: {  	_ =	shalt  }
0x6f: {  	_ =	shalt  }
0x70: {  	_ =	shalt  }
0x71: {  	_ =	shalt  }
0x72: {  	_ =	shalt  }
0x73: {  	_ =	shalt  }
0x74: {  	_ =	shalt  }
0x75: {  	_ =	shalt  }
0x76: {  	_ =	shalt  }
0x77: {  	_ =	shalt  }
0x78: {  	_ =	shalt  }
0x79: {  	_ =	shalt  }
0x7a: {  	_ =	shalt  }
0x7b: {  	_ =	shalt  }
0x7c: {  	_ =	shalt  }
0x7d: {  	_ =	shalt  }
0x7e: {  	_ =	shalt  }
0x7f: {  	_ =	shalt  }
0x80: {  	_ =	shalt  }
0x81: {  	_ =	shalt  }
0x82: {  	_ =	shalt  }
0x83: {  	_ =	shalt  }
0x84: {  	_ =	shalt  }
0x85: {  	_ =	shalt  }
0x86: {  	_ =	shalt  }
0x87: {  	_ =	shalt  }
.Lfunc_end0:
.L_simem_size_0:
called_computation_lowered:
.L_overlay_start_0:
0x88: {  	s2 =	sld [smem:$0x3FD9]  }
0x89: {  	s3 =	sld [smem:$0x3FFE];
	_ =	sdelay $0x1  }
0x8a: {  	s1 =	srdreg.scid  }
0x8b: {  	s0 =	sand.u32 $0x1, s1  }
0x8c: {  	s17 =	sshll.u32 s0, $0xA;
	s2 =	sadd.s32 s3, s2  }
0x8d: {  	s2 =	sadd.s32 s2, s17  }
0x8e: {  	[smem:$0x3FC2] =	sst s2  }
0x8f: {  	_ = 	snop  }
0x90: {  	s2 =	sld [smem:$0x3FD0];
	(tm) =	ssettm $0x1  }
0x91: {  	s18 =	sld [smem:$0x3FFB];
	_ =	sdelay $0x3  }
0x92: {  	_ =	strace s18  }
0x93: {  	s3 =	sld [smem:$0x3FFC];
	_ =	sdelay $0x3  }
0x94: {  	_ =	strace s3  }
0x95: {  	s3 =	sld [smem:$0x3FFD];
	_ =	sdelay $0x3  }
0x96: {  	_ =	strace s3  }
0x97: {  	_ =	strace $0x8FFFFFFF  }
0x98: {  	s19 =	sld [smem:$0x3FDB];
	_ =	sdelay $0x1  }
0x99: {  	s4 =	simm.s32 $_scs_section_size  }
0x9a: {  	s5 =	simm.s32 $_size__tile_overlayer_lowered;
	s6 =	simm.s32 $_tile_overlayer_lowered  }
0x9b: {  	s22 =	simm.s32 $0x1BFF;
	s21 =	sshll.u32 s6, $0x1;
	s3 =	sadd.s32 s4, s19  }
0x9c: {  	s7 =	simm.s32 $0x0;
	s20 =	sshll.u32 s5, $0x1;
	s5 =	sadd.s32 s21, s3  }
0x9d: {  	[timem:s7], [sflag:s22] =	dma.local [hbm:s5], s20  }
0x9e: {  	_ =	swait.ge [sflag:s22], s20  }
0x9f: {  	s4 =	ssub.s32 $0x0, s20;
	[sflag:s22] =	ssyncset.done $0x0  }
0xa0: {  	[sflag:s22] =	ssyncadd.s32 s4;
	_ =	sdelay $0x1  }
0xa1: {  	s23 =	simm.s32 $0x1B8B  }
0xa2: {  	_ =	swait.ge [sflag:s23], $0x1  }
0xa3: {  	[sflag:s23] =	ssyncset.done $0x0  }
0xa4: {  	s25 =	simm.s32 $0x1B8E;
	s24 =	sld [smem:$0x3FFE];
	[sflag:s23] =	ssyncadd.s32 $0xFFFFFFFF  }
0xa5: {  	s26 =	simm.s32 $execute0_lowered;
	[smem:$0x3FD2] =	sst s25  }
0xa6: {  	s5 =	sshll.u32 s26, $0x1;
	_ =	strace $0x80000046;
	[dreg:$0x1] =	wrdreg $0xFFFFFFFF  }
0xa7: {  	s28 =	simm.s32 $_size_execute0_lowered;
	s3 =	sadd.s32 s3, s5;
	[dreg:$0x0] =	wrdreg $0x0  }
0xa8: {  	s5 =	sshll.u32 s28, $0x1;
	[dreg:$0x2] =	wrdreg s3  }
0xa9: {  	[dreg:$0x3] =	wrdreg s5  }
0xaa: {  	[dreg:$0x4] =	wrdreg $0xC0  }
0xab: {  	_ =	task [dreg:s7], $0x5FFFF  }
0xac: {  	[dreg:$0x1] =	wrdreg $0xFFFFFFFF  }
0xad: {  	[dreg:$0x0] =	wrdreg $0x60  }
0xae: {  	[dreg:$0x2] =	wrdreg s24  }
0xaf: {  	[dreg:$0x3] =	wrdreg s2  }
0xb0: {  	[dreg:$0x4] =	wrdreg $0x9  }
0xb1: {  	_ =	task.clear_ibuf [dreg:s7], $0x5FFFF;
	_ =	strace $0x90000046  }
0xb2: {  	s29 =	simm.s32 $0x9;
	_ =	strace $0x80000048  }
0xb3: {  	_ =	swait.ge [sflag:s29], $0x1  }
0xb4: {  	[sflag:s29] =	ssyncadd.s32 $0xFFFFFFFF  }
0xb5: {  	_ =	strace $0x90000048  }
0xb6: {  	_ =	sfence  }
0xb7: {  	s30 =	sld [smem:$0x0];
	_ =	sdelay $0x2  }
0xb8: {  	s31 =	sshll.u32 s1, $0xD;
	s1 =	sshrl.u32 s1, $0x2  }
0xb9: {  	s3 =	sand.u32 $0x4000, s31;
	s1 =	sadd.s32 s1, s30  }
0xba: {  	s0 =	sor.u32 s3, s0;
	s1 =	sshll.u32 s1, $0x11  }
0xbb: {  	s0 =	sor.u32 s1, s0  }
0xbc: {  	s0 =	sadd.s32 $0x8F2B, s0  }
0xbd: {  	[sflag:s0] =	ssyncadd.remote.s32 $0x1  }
0xbe: {  	_ =	sfence.sel $0xFFFF  }
0xbf: {  	[dreg:$0x0] =	wrdreg $0xFFFFFFFF;
	(pc) =	sbr.abs _section_cstart, $3  }
0xc0: {  	[dreg:$0x1] =	wrdreg $0xFFFFFFFF  }
0xc1: {  	_ =	task.clear_ibuf [dreg:s7], $0x2FFFF;
	_ =	strace $0x9FFFFFFF  }
0xc2: {  	(tm) =	ssettm $0x7FFFFFFF  }
0xc3: {  	_ =	shalt  }
tec
execute0_lowered:
.L_overlay_start_1:
0x0: {  	(tag) =	ssettag $0x1  }
0x1: {  	s0 =	srdreg.scid  }
0x2: {  	s2 =	stileid.u32;
	s1 =	rddreg [dreg:$0x0];
	s22 =	simm.s32 $0x80  }
0x3: {  	s28 =	simm.s32 $0x1;
	s29 =	simm.s32 $0x3;
	s31 =	simm.s32 $0x6400  }
0x4: {  	s25 =	simm.s32 $0x4;
	s0 =	sand.u32 $0x1, s0;
	s3 =	sshll.u32 s2, $0x1  }
0x5: {  	s2 =	rddreg [dreg:$0x1];
	s6 =	sadd.s32 $0x13E00, s1;
	s7 =	sor.u32 s0, s3  }
0x6: {  	s3 =	simm.s32 $0x0;
	s0 =	ssub.s32 $0x2, s0;
	s4 =	smul.u32 $0x640, s7  }
0x7: {  	[smem:$0x7FF] =	sst s3;
	s9 =	sshrl.u32 s0, $0x1;
	s5 =	smul.u32 $0x190000, s7  }
0x8: {  	s7 =	smul.u32 $0x3200, s7;
	_ =	strace $0x80000047;
	s0 =	ssub.s32 s0, s9  }
0x9: {  	s9 =	sadd.s32 $0x8, s2;
	s8 =	sadd.s32 s4, s1;
	s4 =	sadd.s32 $0x1B3E00, s1  }
0xa: {  	s30 =	sshrl.u32 s5, $0x3;
	s0 =	smax.u32 s0, $0x1;
	s26 =	sadd.s32 $0x1113E00, s8  }
0xb: {  	s8 =	sadd.s32 $0x1200, s8;
	s11 =	sadd.s32 s2, s30;
	[dreg:$0x5] =	wrdreg s0  }
0xc: {  	s12 =	sadd.s32 s30, s9;
	s0 =	simm.s32 $0x2;
	[dreg:$0x3] =	wrdreg s26  }
0xd: {  	[dreg:$0x4] =	wrdreg s8;
	s13 =	sadd.s32 $0x800, s11;
	s14 =	sadd.s32 $0x808, s11  }
0xe: {  	s15 =	sadd.s32 $0x31000, s11;
	s16 =	sadd.s32 $0x31008, s11;
	s17 =	sadd.s32 $0x31800, s11  }
0xf: {  	s18 =	sadd.s32 $0x31808, s11;
	s26 =	simm.s32 $0x12400;
	s8 =	simm.s32 $0x0  }
.LBB2_1:
0x10: {  	[dreg:$0x6] =	wrdreg s8  }
0x11: {  	s1 =	rddreg [dreg:$0x3];
	s20 =	simm.s32 $0x5  }
0x12: {  	[tilespmem:s3], [sflag:$0x5] =	stream.linear.gather [hbm4b:s1+s3], $0x3200, $0x38;
	[tilespmem:$0x16400] =	vst v63  }
0x13: {  	_ =	swait.ge [sflag:s20], $0x3200  }
0x14: {  	[sflag:s20] =	ssyncset.done $0x0  }
0x15: {  	s10 =	simm.s32 $0x3200;
	s21 =	rddreg [dreg:$0x4];
	[sflag:s20] =	ssyncadd.s32 $0xFFFFCE00  }
0x16: {  	[tilespmem:s10], [sflag:$0x5] =	stream.linear.gather [hbm4b:s21+s3], $0x3200, $0x38;
	[tilespmem:$0x16400] =	vst v63  }
0x17: {  	_ =	swait.ge [sflag:s20], $0x3200  }
0x18: {  	[sflag:s20] =	ssyncset.done $0x0  }
0x19: {  	[sflag:s20] =	ssyncadd.s32 $0xFFFFCE00  }
0x1a: {  	[tilespmem:s31], [sflag:$0x1] =	stream.indirect.gather [hbm4b:s4+s22], $0x80, s3, s22, $0xb8;
	[tilespmem:$0x16400] =	vst v63  }
0x1b: {  	s23 =	simm.s32 $0xE400  }
0x1c: {  	[tilespmem:s23], [sflag:$0x1] =	stream.indirect.gather [hbm4b:s6+s22], $0x80, s10, s22, $0xb8;
	[tilespmem:$0x16400] =	vst v63  }
0x1d: {  	s24 =	simm.s32 $0xA400  }
0x1e: {  	[tilespmem:s24], [sflag:$0x2] =	stream.indirect.gather [hbm4b:s4+s22], $0x80, s22, s22, $0xb8;
	[tilespmem:$0x16400] =	vst v63  }
0x1f: {  	s30 =	simm.s32 $0x3280  }
0x20: {  	[tilespmem:s26], [sflag:$0x2] =	stream.indirect.gather [hbm4b:s6+s22], $0x80, s30, s22, $0xb8;
	[tilespmem:$0x16400] =	vst v63  }
0x21: {  	_ =	swait.ge [sflag:s28], $0x4000  }
0x22: {  	[sflag:s28] =	ssyncset.done $0x0  }
0x23: {  	[sflag:s28] =	ssyncadd.s32 $0xFFFFC000  }
0x24: {  	_ =	swait.ge [sflag:s28], $0x4000  }
0x25: {  	s19 =	sadd.s32 $0x0, s11;
	s8 =	simm.s32 $0x6480;
	[sflag:s28] =	ssyncset.done $0x0  }
0x26: {  	s1 =	simm.s32 $0x10;
	s10 =	simm.s32 $0x6400;
	[sflag:s28] =	ssyncadd.s32 $0xFFFFC000  }
.LBB2_2:
0x27: {  	[hbm4b:s19+s3] =	stream.linear.scatter [tilespmem:s10], [sflag:$0x3], $0x40, $0x38;
	[tilespmem:$0x16400] =	vst v63  }
0x28: {  	s19 =	smov.u32 s1;
	s10 =	smov.u32 s8;
	p0 =	sne.s32 s1, $0x7F0  }
.Ltmp0:
0x29: {  	s1 =	sadd.s32 $0x10, s1;
	(pc) =	sbr.rel @p0 .LBB2_2-.Ltmp0, $2  }
0x2a: {  	_ =	sdelay $0x2  }
0x2b: {  	s8 =	sadd.s32 $0x80, s8;
	s19 =	sadd.s32 s19, s11  }
0x2c: {  	[hbm4b:s19+s3] =	stream.linear.scatter [tilespmem:s10], [sflag:$0x3], $0x40, $0x38;
	[tilespmem:$0x16400] =	vst v63  }
0x2d: {  	s1 =	simm.s32 $0xE400  }
0x2e: {  	s8 =	simm.s32 $0x10;
	s19 =	sadd.s32 $0x0, s12;
	s10 =	simm.s32 $0xE480  }
.LBB2_4:
0x2f: {  	[hbm4b:s19+s3] =	stream.linear.scatter [tilespmem:s1], [sflag:$0x3], $0x40, $0x38;
	[tilespmem:$0x16400] =	vst v63  }
0x30: {  	s19 =	smov.u32 s8;
	s1 =	smov.u32 s10;
	p0 =	sne.s32 s8, $0x7F0  }
.Ltmp1:
0x31: {  	s8 =	sadd.s32 $0x10, s8;
	(pc) =	sbr.rel @p0 .LBB2_4-.Ltmp1, $2  }
0x32: {  	_ =	sdelay $0x2  }
0x33: {  	s10 =	sadd.s32 $0x80, s10;
	s19 =	sadd.s32 s19, s12  }
0x34: {  	[hbm4b:s19+s3] =	stream.linear.scatter [tilespmem:s1], [sflag:$0x3], $0x40, $0x38;
	[tilespmem:$0x16400] =	vst v63  }
0x35: {  	_ =	swait.ge [sflag:s29], $0x2000  }
0x36: {  	[sflag:s29] =	ssyncset.done $0x0  }
0x37: {  	[sflag:s29] =	ssyncadd.s32 $0xFFFFE000  }
0x38: {  	_ =	swait.ge [sflag:s29], $0x2000  }
0x39: {  	[sflag:s29] =	ssyncset.done $0x0  }
0x3a: {  	s24 =	simm.s32 $0x100;
	[sflag:s29] =	ssyncadd.s32 $0xFFFFE000  }
0x3b: {  	[tilespmem:s31], [sflag:$0x1] =	stream.indirect.gather [hbm4b:s4+s22], $0x80, s24, s22, $0xb8;
	[tilespmem:$0x16400] =	vst v63  }
0x3c: {  	s30 =	simm.s32 $0xE400;
	s8 =	simm.s32 $0x3300  }
0x3d: {  	[tilespmem:s30], [sflag:$0x1] =	stream.indirect.gather [hbm4b:s6+s22], $0x80, s8, s22, $0xb8;
	[tilespmem:$0x16400] =	vst v63  }
0x3e: {  	_ =	swait.ge [sflag:s0], $0x4000  }
0x3f: {  	[sflag:s0] =	ssyncset.done $0x0  }
0x40: {  	[sflag:s0] =	ssyncadd.s32 $0xFFFFC000  }
0x41: {  	_ =	swait.ge [sflag:s0], $0x4000  }
0x42: {  	s1 =	simm.s32 $0xA400;
	s19 =	sadd.s32 $0x0, s13;
	[sflag:s0] =	ssyncset.done $0x0  }
0x43: {  	s10 =	simm.s32 $0xA480;
	s8 =	simm.s32 $0x10;
	[sflag:s0] =	ssyncadd.s32 $0xFFFFC000  }
.LBB2_6:
0x44: {  	[hbm4b:s19+s3] =	stream.linear.scatter [tilespmem:s1], [sflag:$0x4], $0x40, $0x38;
	[tilespmem:$0x16400] =	vst v63  }
0x45: {  	s19 =	smov.u32 s8;
	s1 =	smov.u32 s10;
	p0 =	sne.s32 s8, $0x7F0  }
.Ltmp2:
0x46: {  	s8 =	sadd.s32 $0x10, s8;
	(pc) =	sbr.rel @p0 .LBB2_6-.Ltmp2, $2  }
0x47: {  	_ =	sdelay $0x2  }
0x48: {  	s10 =	sadd.s32 $0x80, s10;
	s19 =	sadd.s32 s19, s13  }
0x49: {  	[hbm4b:s19+s3] =	stream.linear.scatter [tilespmem:s1], [sflag:$0x4], $0x40, $0x38;
	[tilespmem:$0x16400] =	vst v63  }
0x4a: {  	s1 =	simm.s32 $0x0;
	s8 =	simm.s32 $0x12400  }
.LBB2_8:
0x4b: {  	p0 =	sne.s32 s1, $0x7F0  }
.Ltmp3:
0x4c: {  	_ = 	snop;
	(pc) =	sbr.rel @p0 .LBB2_8-.Ltmp3, $4  }
0x4d: {  	_ = 	snop  }
0x4e: {  	s10 =	sadd.s32 s1, s14  }
0x4f: {  	[hbm4b:s10+s3] =	stream.linear.scatter [tilespmem:s8], [sflag:$0x4], $0x40, $0x38;
	[tilespmem:$0x16400] =	vst v63  }
0x50: {  	s1 =	sadd.s32 $0x10, s1;
	s8 =	sadd.s32 $0x80, s8  }
0x51: {  	s1 =	simm.s32 $0x1  }
.LBB2_10:
0x52: {  	_ =	swait.ge [sflag:s25], $0x2000  }
0x53: {  	[sflag:s25] =	ssyncset.done $0x0  }
0x54: {  	[sflag:s25] =	ssyncadd.s32 $0xFFFFE000  }
0x55: {  	_ =	swait.ge [sflag:s25], $0x2000  }
0x56: {  	s10 =	sshll.u32 s1, $0x8;
	[sflag:s25] =	ssyncset.done $0x0  }
0x57: {  	s19 =	simm.s32 $0xA400;
	s8 =	sor.u32 $0x80, s10;
	[sflag:s25] =	ssyncadd.s32 $0xFFFFE000  }
0x58: {  	[tilespmem:s19], [sflag:$0x2] =	stream.indirect.gather [hbm4b:s4+s22], $0x80, s8, s22, $0xb8;
	[tilespmem:$0x16400] =	vst v63  }
0x59: {  	s23 =	sadd.s32 $0x3280, s10  }
0x5a: {  	[tilespmem:s26], [sflag:$0x2] =	stream.indirect.gather [hbm4b:s6+s22], $0x80, s23, s22, $0xb8;
	[tilespmem:$0x16400] =	vst v63  }
0x5b: {  	_ =	swait.ge [sflag:s28], $0x4000  }
0x5c: {  	s24 =	sshll.u32 s1, $0xF;
	[sflag:s28] =	ssyncset.done $0x0  }
0x5d: {  	s19 =	sadd.s32 s5, s24;
	[sflag:s28] =	ssyncadd.s32 $0xFFFFC000  }
0x5e: {  	s20 =	simm.s32 $0x6400;
	s21 =	sshrl.u32 s19, $0x3;
	_ =	swait.ge [sflag:s28], $0x4000  }
0x5f: {  	s30 =	simm.s32 $0x10;
	s19 =	sadd.s32 s2, s21;
	[sflag:s28] =	ssyncset.done $0x0  }
0x60: {  	s23 =	simm.s32 $0x6480;
	s24 =	sadd.s32 $0x0, s19;
	[sflag:s28] =	ssyncadd.s32 $0xFFFFC000  }
.LBB2_11:
0x61: {  	[hbm4b:s24+s3] =	stream.linear.scatter [tilespmem:s20], [sflag:$0x3], $0x40, $0x38;
	[tilespmem:$0x16400] =	vst v63  }
0x62: {  	s24 =	smov.u32 s30;
	s20 =	smov.u32 s23;
	p0 =	sne.s32 s30, $0x7F0  }
.Ltmp4:
0x63: {  	s30 =	sadd.s32 $0x10, s30;
	(pc) =	sbr.rel @p0 .LBB2_11-.Ltmp4, $2  }
0x64: {  	_ =	sdelay $0x2  }
0x65: {  	s23 =	sadd.s32 $0x80, s23;
	s24 =	sadd.s32 s24, s19  }
0x66: {  	[hbm4b:s24+s3] =	stream.linear.scatter [tilespmem:s20], [sflag:$0x3], $0x40, $0x38;
	[tilespmem:$0x16400] =	vst v63  }
0x67: {  	s19 =	sadd.s32 s21, s9;
	s20 =	simm.s32 $0xE400  }
0x68: {  	s21 =	simm.s32 $0x10;
	s23 =	simm.s32 $0xE480;
	s24 =	sadd.s32 $0x0, s19  }
.LBB2_13:
0x69: {  	[hbm4b:s24+s3] =	stream.linear.scatter [tilespmem:s20], [sflag:$0x3], $0x40, $0x38;
	[tilespmem:$0x16400] =	vst v63  }
0x6a: {  	s24 =	smov.u32 s21;
	s20 =	smov.u32 s23;
	p0 =	sne.s32 s21, $0x7F0  }
.Ltmp5:
0x6b: {  	s21 =	sadd.s32 $0x10, s21;
	(pc) =	sbr.rel @p0 .LBB2_13-.Ltmp5, $2  }
0x6c: {  	_ =	sdelay $0x2  }
0x6d: {  	s23 =	sadd.s32 $0x80, s23;
	s24 =	sadd.s32 s24, s19  }
0x6e: {  	[hbm4b:s24+s3] =	stream.linear.scatter [tilespmem:s20], [sflag:$0x3], $0x40, $0x38;
	[tilespmem:$0x16400] =	vst v63  }
0x6f: {  	_ =	swait.ge [sflag:s29], $0x2000  }
0x70: {  	[sflag:s29] =	ssyncset.done $0x0  }
0x71: {  	[sflag:s29] =	ssyncadd.s32 $0xFFFFE000  }
0x72: {  	_ =	swait.ge [sflag:s29], $0x2000  }
0x73: {  	[sflag:s29] =	ssyncset.done $0x0  }
0x74: {  	s19 =	sadd.s32 $0x100, s10;
	[sflag:s29] =	ssyncadd.s32 $0xFFFFE000  }
0x75: {  	[tilespmem:s31], [sflag:$0x1] =	stream.indirect.gather [hbm4b:s4+s22], $0x80, s19, s22, $0xb8;
	[tilespmem:$0x16400] =	vst v63  }
0x76: {  	s24 =	sadd.s32 $0x3300, s10;
	s30 =	simm.s32 $0xE400  }
0x77: {  	[tilespmem:s30], [sflag:$0x1] =	stream.indirect.gather [hbm4b:s6+s22], $0x80, s24, s22, $0xb8;
	[tilespmem:$0x16400] =	vst v63  }
0x78: {  	_ =	swait.ge [sflag:s0], $0x4000  }
0x79: {  	[sflag:s0] =	ssyncset.done $0x0  }
0x7a: {  	s8 =	sadd.s32 s7, s8;
	[sflag:s0] =	ssyncadd.s32 $0xFFFFC000  }
0x7b: {  	s20 =	simm.s32 $0x10;
	s8 =	sshll.u32 s8, $0x4;
	_ =	swait.ge [sflag:s0], $0x4000  }
0x7c: {  	s21 =	simm.s32 $0xA480;
	s10 =	sadd.s32 s2, s8;
	[sflag:s0] =	ssyncset.done $0x0  }
0x7d: {  	s23 =	sadd.s32 $0x0, s10;
	s19 =	simm.s32 $0xA400;
	[sflag:s0] =	ssyncadd.s32 $0xFFFFC000  }
.LBB2_15:
0x7e: {  	[hbm4b:s23+s3] =	stream.linear.scatter [tilespmem:s19], [sflag:$0x4], $0x40, $0x38;
	[tilespmem:$0x16400] =	vst v63  }
0x7f: {  	s23 =	smov.u32 s20;
	s19 =	smov.u32 s21;
	p0 =	sne.s32 s20, $0x7F0  }
.Ltmp6:
0x80: {  	s20 =	sadd.s32 $0x10, s20;
	(pc) =	sbr.rel @p0 .LBB2_15-.Ltmp6, $2  }
0x81: {  	_ =	sdelay $0x2  }
0x82: {  	s21 =	sadd.s32 $0x80, s21;
	s23 =	sadd.s32 s23, s10  }
0x83: {  	[hbm4b:s23+s3] =	stream.linear.scatter [tilespmem:s19], [sflag:$0x4], $0x40, $0x38;
	[tilespmem:$0x16400] =	vst v63  }
0x84: {  	s8 =	sadd.s32 s8, s9;
	s10 =	simm.s32 $0x12400  }
0x85: {  	s19 =	simm.s32 $0x10;
	s20 =	simm.s32 $0x12480;
	s21 =	sadd.s32 $0x0, s8  }
.LBB2_17:
0x86: {  	[hbm4b:s21+s3] =	stream.linear.scatter [tilespmem:s10], [sflag:$0x4], $0x40, $0x38;
	[tilespmem:$0x16400] =	vst v63  }
0x87: {  	s21 =	smov.u32 s19;
	s10 =	smov.u32 s20;
	p0 =	sne.s32 s19, $0x7F0  }
.Ltmp7:
0x88: {  	s19 =	sadd.s32 $0x10, s19;
	(pc) =	sbr.rel @p0 .LBB2_17-.Ltmp7, $2  }
0x89: {  	_ =	sdelay $0x2  }
0x8a: {  	s20 =	sadd.s32 $0x80, s20;
	s21 =	sadd.s32 s21, s8  }
0x8b: {  	s1 =	sadd.s32 $0x1, s1  }
0x8c: {  	p0 =	sne.s32 s1, $0x31  }
.Ltmp8:
0x8d: {  	_ = 	snop;
	(pc) =	sbr.rel @p0 .LBB2_10-.Ltmp8, $2  }
0x8e: {  	_ =	sdelay $0x2  }
0x8f: {  	[hbm4b:s21+s3] =	stream.linear.scatter [tilespmem:s10], [sflag:$0x4], $0x40, $0x38;
	[tilespmem:$0x16400] =	vst v63  }
0x90: {  	_ =	swait.ge [sflag:s25], $0x2000  }
0x91: {  	[sflag:s25] =	ssyncset.done $0x0  }
0x92: {  	[sflag:s25] =	ssyncadd.s32 $0xFFFFE000  }
0x93: {  	_ =	swait.ge [sflag:s25], $0x2000  }
0x94: {  	[sflag:s25] =	ssyncset.done $0x0  }
0x95: {  	s1 =	simm.s32 $0xA400;
	s8 =	simm.s32 $0x3180;
	[sflag:s25] =	ssyncadd.s32 $0xFFFFE000  }
0x96: {  	[tilespmem:s1], [sflag:$0x2] =	stream.indirect.gather [hbm4b:s4+s22], $0x80, s8, s22, $0xb8;
	[tilespmem:$0x16400] =	vst v63  }
0x97: {  	s30 =	simm.s32 $0x6380  }
0x98: {  	[tilespmem:s26], [sflag:$0x2] =	stream.indirect.gather [hbm4b:s6+s22], $0x80, s30, s22, $0xb8;
	[tilespmem:$0x16400] =	vst v63  }
0x99: {  	_ =	swait.ge [sflag:s28], $0x4000  }
0x9a: {  	[sflag:s28] =	ssyncset.done $0x0  }
0x9b: {  	[sflag:s28] =	ssyncadd.s32 $0xFFFFC000  }
0x9c: {  	_ =	swait.ge [sflag:s28], $0x4000  }
0x9d: {  	s19 =	sadd.s32 $0x0, s15;
	s10 =	simm.s32 $0x6480;
	[sflag:s28] =	ssyncset.done $0x0  }
0x9e: {  	s1 =	simm.s32 $0x6400;
	s8 =	simm.s32 $0x10;
	[sflag:s28] =	ssyncadd.s32 $0xFFFFC000  }
.LBB2_20:
0x9f: {  	[hbm4b:s19+s3] =	stream.linear.scatter [tilespmem:s1], [sflag:$0x3], $0x40, $0x38;
	[tilespmem:$0x16400] =	vst v63  }
0xa0: {  	s19 =	smov.u32 s8;
	s1 =	smov.u32 s10;
	p0 =	sne.s32 s8, $0x7F0  }
.Ltmp9:
0xa1: {  	s8 =	sadd.s32 $0x10, s8;
	(pc) =	sbr.rel @p0 .LBB2_20-.Ltmp9, $2  }
0xa2: {  	_ =	sdelay $0x2  }
0xa3: {  	s10 =	sadd.s32 $0x80, s10;
	s19 =	sadd.s32 s19, s15  }
0xa4: {  	[hbm4b:s19+s3] =	stream.linear.scatter [tilespmem:s1], [sflag:$0x3], $0x40, $0x38;
	[tilespmem:$0x16400] =	vst v63  }
0xa5: {  	s1 =	simm.s32 $0xE400  }
0xa6: {  	s8 =	simm.s32 $0x10;
	s19 =	sadd.s32 $0x0, s16;
	s10 =	simm.s32 $0xE480  }
.LBB2_22:
0xa7: {  	[hbm4b:s19+s3] =	stream.linear.scatter [tilespmem:s1], [sflag:$0x3], $0x40, $0x38;
	[tilespmem:$0x16400] =	vst v63  }
0xa8: {  	s19 =	smov.u32 s8;
	s1 =	smov.u32 s10;
	p0 =	sne.s32 s8, $0x7F0  }
.Ltmp10:
0xa9: {  	s8 =	sadd.s32 $0x10, s8;
	(pc) =	sbr.rel @p0 .LBB2_22-.Ltmp10, $2  }
0xaa: {  	_ =	sdelay $0x2  }
0xab: {  	s10 =	sadd.s32 $0x80, s10;
	s19 =	sadd.s32 s19, s16  }
0xac: {  	[hbm4b:s19+s3] =	stream.linear.scatter [tilespmem:s1], [sflag:$0x3], $0x40, $0x38;
	[tilespmem:$0x16400] =	vst v63  }
0xad: {  	_ =	swait.ge [sflag:s0], $0x4000  }
0xae: {  	[sflag:s0] =	ssyncset.done $0x0  }
0xaf: {  	[sflag:s0] =	ssyncadd.s32 $0xFFFFC000  }
0xb0: {  	_ =	swait.ge [sflag:s0], $0x4000  }
0xb1: {  	s1 =	simm.s32 $0xA400;
	s8 =	simm.s32 $0x10;
	[sflag:s0] =	ssyncset.done $0x0  }
0xb2: {  	s19 =	sadd.s32 $0x0, s17;
	s10 =	simm.s32 $0xA480;
	[sflag:s0] =	ssyncadd.s32 $0xFFFFC000  }
.LBB2_24:
0xb3: {  	[hbm4b:s19+s3] =	stream.linear.scatter [tilespmem:s1], [sflag:$0x4], $0x40, $0x38;
	[tilespmem:$0x16400] =	vst v63  }
0xb4: {  	s19 =	smov.u32 s8;
	s1 =	smov.u32 s10;
	p0 =	sne.s32 s8, $0x7F0  }
.Ltmp11:
0xb5: {  	s8 =	sadd.s32 $0x10, s8;
	(pc) =	sbr.rel @p0 .LBB2_24-.Ltmp11, $2  }
0xb6: {  	_ =	sdelay $0x2  }
0xb7: {  	s10 =	sadd.s32 $0x80, s10;
	s19 =	sadd.s32 s19, s17  }
0xb8: {  	[hbm4b:s19+s3] =	stream.linear.scatter [tilespmem:s1], [sflag:$0x4], $0x40, $0x38;
	[tilespmem:$0x16400] =	vst v63  }
0xb9: {  	s1 =	simm.s32 $0x12400  }
0xba: {  	s8 =	simm.s32 $0x10;
	s19 =	sadd.s32 $0x0, s18;
	s10 =	simm.s32 $0x12480  }
.LBB2_26:
0xbb: {  	[hbm4b:s19+s3] =	stream.linear.scatter [tilespmem:s1], [sflag:$0x4], $0x40, $0x38;
	[tilespmem:$0x16400] =	vst v63  }
0xbc: {  	s19 =	smov.u32 s8;
	s1 =	smov.u32 s10;
	p0 =	sne.s32 s8, $0x7F0  }
.Ltmp12:
0xbd: {  	s8 =	sadd.s32 $0x10, s8;
	(pc) =	sbr.rel @p0 .LBB2_26-.Ltmp12, $2  }
0xbe: {  	_ =	sdelay $0x2  }
0xbf: {  	s10 =	sadd.s32 $0x80, s10;
	s19 =	sadd.s32 s19, s18  }
0xc0: {  	[hbm4b:s19+s3] =	stream.linear.scatter [tilespmem:s1], [sflag:$0x4], $0x40, $0x38;
	[tilespmem:$0x16400] =	vst v63  }
0xc1: {  	_ =	swait.ge [sflag:s29], $0x2000  }
0xc2: {  	[sflag:s29] =	ssyncset.done $0x0  }
0xc3: {  	[sflag:s29] =	ssyncadd.s32 $0xFFFFE000  }
0xc4: {  	_ =	swait.ge [sflag:s29], $0x2000  }
0xc5: {  	[sflag:s29] =	ssyncset.done $0x0  }
0xc6: {  	[sflag:s29] =	ssyncadd.s32 $0xFFFFE000  }
0xc7: {  	_ =	swait.ge [sflag:s25], $0x2000  }
0xc8: {  	[sflag:s25] =	ssyncset.done $0x0  }
0xc9: {  	[sflag:s25] =	ssyncadd.s32 $0xFFFFE000  }
0xca: {  	_ =	swait.ge [sflag:s25], $0x2000  }
0xcb: {  	s8 =	rddreg [dreg:$0x6]  }
0xcc: {  	s30 =	rddreg [dreg:$0x5];
	s8 =	sadd.s32 $0x1, s8  }
0xcd: {  	p0 =	sne.s32 s8, s30  }
.Ltmp13:
0xce: {  	_ = 	snop;
	(pc) =	sbr.rel @p0 .LBB2_1-.Ltmp13, $3  }
0xcf: {  	_ =	sdelay $0x1  }
0xd0: {  	[sflag:s25] =	ssyncset.done $0x0  }
0xd1: {  	[sflag:s25] =	ssyncadd.s32 $0xFFFFE000  }
0xd2: {  	_ =	sfence.sel $0x180000  }
0xd3: {  	[bflag:$0x0] =	sbarrier.arrive $0xFFFF  }
0xd4: {  	_ =	strace $0x90000047  }
0xd5: {  	s0 =	stileid.u32;
	[bflag:$0x2] =	sbarrier.arrive $0xFFFF  }
0xd6: {  	p0 =	sne.s32 s0, $0x0;
	s0 =	rddreg [dreg:$0x2]  }
0xd7: {  	s0 =	sadd.s32 @!p0 $0x100000, s0  }
0xd8: {  	[sflag:s0] =	ssyncadd.tile.s32 @!p0 $0x1;
	_ =	shalt  }
.Lfunc_end2:
_tile_overlayer_lowered:
.L_overlay_start_2:
0xd9: {  	(tag) =	ssettag $0x2  }
0xda: {  	s0 =	rddreg [dreg:$0x0];
	s2 =	stileid.u32  }
0xdb: {  	s1 =	rddreg [dreg:$0x1];
	p0 =	sne.s32 s2, $0x0  }
0xdc: {  	s3 =	rddreg [dreg:$0x2];
	[bflag:$0x3] =	sbarrier.arrive $0xFFFF;
	s2 =	simm.s32 @!p0 $0x1C05  }
0xdd: {  	[timem:s3], [sflag:s2] =	dma.local @!p0 [hbm:s0], s1  }
0xde: {  	s0 =	simm.s32 @!p0 $0x5  }
0xdf: {  	_ =	swait.ge @!p0 [sflag:s0], s1  }
0xe0: {  	s1 =	ssub.s32 @!p0 $0x0, s1;
	[sflag:s0] =	ssyncset.done @!p0 $0x0  }
0xe1: {  	[sflag:s0] =	ssyncadd.s32 @!p0 s1  }
0xe2: {  	[bflag:$0x3] =	sbarrier.arrive $0xFFFF  }
0xe3: {  	_ =	shalt  }

</sc_bundles>
